<compile_context>
chip_gen: v7x
topology: tpu7x:2x2x1
jax: 0.10.2.dev20260603
libtpu: 0.0.44.dev20260713+nightly
codegen_flags: <defaults>
</compile_context>

<pallas_src>
import functools

import jax
import jax.numpy as jnp
from jax import lax
from jax.experimental import pallas as pl
from jax.experimental.pallas import tpu as pltpu
from jax.experimental.pallas import tpu_sc as plsc

N = 10000
E = 160000
H = 4
C = 64
HC = H * C

NCORES = 2
NSUB = 16
NW = NCORES * NSUB
EW = 5120
EPAD = NW * EW
BB = 128
NCHUNK = EW // BB
NPAD = N + 112
RPS = NPAD // NSUB

_SC_MESH = plsc.VectorSubcoreMesh(core_axis_name="c", subcore_axis_name="s")
_SC_PARAMS = pltpu.CompilerParams(use_tc_tiling_on_sc=False,
                                  needs_layout_passes=False)



_HI = jax.lax.Precision.HIGHEST


def _dot(a, b):
    return jnp.dot(a, b, precision=_HI)


def _encoder_body(xin_ref, w1_ref, b1_ref, wl_ref, bl_ref, wr_ref, br_ref,
                  xl_ref, xr_ref):
    xin = xin_ref[...]
    h = jnp.maximum(xin @ w1_ref[...] + b1_ref[...][None, :], 0.0)
    xl_ref[...] = h @ wl_ref[...] + bl_ref[...][None, :]
    xr_ref[...] = h @ wr_ref[...] + br_ref[...][None, :]


def _encode(xin, W1, b1, Wl, bl, Wr, br):
    blk = 1000
    full = lambda shape: pl.BlockSpec(shape, lambda i: (0,) * len(shape))
    return pl.pallas_call(
        _encoder_body,
        grid=(N // blk,),
        in_specs=[
            pl.BlockSpec((blk, 10), lambda i: (i, 0)),
            full((10, C)), full((C,)),
            full((C, HC)), full((HC,)), full((C, HC)), full((HC,)),
        ],
        out_specs=(pl.BlockSpec((blk, HC), lambda i: (i, 0)),
                   pl.BlockSpec((blk, HC), lambda i: (i, 0))),
        out_shape=(jax.ShapeDtypeStruct((N, HC), jnp.float32),
                   jax.ShapeDtypeStruct((N, HC), jnp.float32)),
    )(xin, W1, b1, Wl, bl, Wr, br)


def _logits_body(xlg_ref, xrg_ref, ea_ref, we_ref, attd_ref, i416_ref,
                 ex_ref):
    t = xlg_ref[...] + xrg_ref[...] + ea_ref[...] @ we_ref[...]
    lr = jnp.where(t >= 0.0, t, 0.2 * t)
    ex4 = jnp.exp(_dot(lr, attd_ref[...]))
    ex_ref[...] = _dot(ex4, i416_ref[...])


def _logits(xlg, xrg, ea16_p, We16, attD, I416):
    blk = 2048
    full = lambda shape: pl.BlockSpec(shape, lambda i: (0,) * len(shape))
    return pl.pallas_call(
        _logits_body,
        grid=(EPAD // blk,),
        in_specs=[pl.BlockSpec((blk, HC), lambda i: (i, 0)),
                  pl.BlockSpec((blk, HC), lambda i: (i, 0)),
                  pl.BlockSpec((blk, 16), lambda i: (i, 0)),
                  full((16, HC)), full((HC, 4)), full((4, 16))],
        out_specs=pl.BlockSpec((blk, 16), lambda i: (i, 0)),
        out_shape=jax.ShapeDtypeStruct((EPAD, 16), jnp.float32),
    )(xlg, xrg, ea16_p, We16, attD, I416)


def _msg_body(xlg_ref, ex_ref, rdg_ref, msg_ref):
    xlg = xlg_ref[...]
    al = ex_ref[...] * rdg_ref[...]
    acc = al[:, 0:1] * xlg[:, 0:C]
    for h in range(1, H):
        acc = acc + al[:, h:h + 1] * xlg[:, h * C:(h + 1) * C]
    msg_ref[...] = acc


def _msg(xlg, ex16, rd_g):
    blk = 2048
    return pl.pallas_call(
        _msg_body,
        grid=(EPAD // blk,),
        in_specs=[pl.BlockSpec((blk, HC), lambda i: (i, 0)),
                  pl.BlockSpec((blk, 16), lambda i: (i, 0)),
                  pl.BlockSpec((blk, 16), lambda i: (i, 0))],
        out_specs=pl.BlockSpec((blk, C), lambda i: (i, 0)),
        out_shape=jax.ShapeDtypeStruct((EPAD, C), jnp.float32),
    )(xlg, ex16, rd_g)


def _mid_body(xl_ref, xr_ref, a0_ref, a1_ref, s0_ref, s1_ref,
              we_ref, attd_ref, i416_ref, rd_ref, ms_ref):
    xl = xl_ref[...]
    a = a0_ref[...] + a1_ref[...]
    deg = jnp.maximum(a[:, 11:12], 1.0)
    eam = a / deg
    ees = eam @ we_ref[...]
    t = xl + xr_ref[...] + ees
    lr = jnp.where(t >= 0.0, t, 0.2 * t)
    ls = _dot(lr, attd_ref[...])
    exs = jnp.exp(ls)
    den4 = (s0_ref[...] + s1_ref[...])[:, :4] + exs
    rd4 = 1.0 / den4
    rd_ref[...] = _dot(rd4, i416_ref[...])
    alsf = exs * rd4
    acc = alsf[:, 0:1] * xl[:, 0:C]
    for h in range(1, H):
        acc = acc + alsf[:, h:h + 1] * xl[:, h * C:(h + 1) * C]
    ms_ref[...] = acc


def _mid(xl, xr, a0, a1, s0, s1, We16, attD, I416):
    blk = 1000
    full = lambda shape: pl.BlockSpec(shape, lambda i: (0,) * len(shape))
    row = lambda w: pl.BlockSpec((blk, w), lambda i: (i, 0))
    return pl.pallas_call(
        _mid_body,
        grid=(N // blk,),
        in_specs=[row(HC), row(HC), row(16), row(16), row(16), row(16),
                  full((16, HC)), full((HC, 4)), full((4, 16))],
        out_specs=(row(16), row(C)),
        out_shape=(jax.ShapeDtypeStruct((N, 16), jnp.float32),
                   jax.ShapeDtypeStruct((N, C), jnp.float32)),
    )(xl, xr, a0, a1, s0, s1, We16, attD, I416)


def _final_body(m0_ref, m1_ref, ms_ref, bias_ref, psum_ref):
    i = pl.program_id(0)
    hh = (m0_ref[...] + m1_ref[...] + ms_ref[...]) * 0.25 + bias_ref[...]
    hh = jnp.maximum(hh, 0.0)
    part = jnp.sum(hh, axis=0, keepdims=True)

    @pl.when(i == 0)
    def _():
        psum_ref[...] = part

    @pl.when(i > 0)
    def _():
        psum_ref[...] = psum_ref[...] + part



def _final(m0, m1, msg_self, bias_g):
    blk = 1000
    full = lambda shape: pl.BlockSpec(shape, lambda i: (0,) * len(shape))
    row = lambda w: pl.BlockSpec((blk, w), lambda i: (i, 0))
    return pl.pallas_call(
        _final_body,
        grid=(N // blk,),
        in_specs=[row(C), row(C), row(C), full((1, C))],
        out_specs=full((1, C)),
        out_shape=jax.ShapeDtypeStruct((1, C), jnp.float32),
    )(m0, m1, msg_self, bias_g)



def _make_scat_body(w):
    def body(rows_hbm, dst_hbm, z_hbm, out_hbm, idx_v, rows_v, shared):
        c = lax.axis_index("c")
        s = lax.axis_index("s")
        wid = c * NSUB + s
        pltpu.sync_copy(z_hbm.at[pl.ds(s * RPS, RPS)],
                        shared.at[pl.ds(s * RPS, RPS)])
        plsc.subcore_barrier()

        def chunk(j, carry):
            base = wid * EW + j * BB
            pltpu.sync_copy(dst_hbm.at[pl.ds(base, BB)], idx_v)
            pltpu.sync_copy(rows_hbm.at[pl.ds(base, BB)], rows_v)
            pltpu.sync_copy(rows_v, shared.at[idx_v], add=True)
            return carry

        lax.fori_loop(0, NCHUNK, chunk, 0)
        plsc.subcore_barrier()
        pltpu.sync_copy(shared.at[pl.ds(s * RPS, RPS)],
                        out_hbm.at[c, pl.ds(s * RPS, RPS)])

    return body


def _sc_scatter_add(rows, dst_p, z):
    w = rows.shape[1]
    k = pl.kernel(
        _make_scat_body(w),
        out_type=jax.ShapeDtypeStruct((NCORES, NPAD, w), jnp.float32),
        mesh=_SC_MESH,
        compiler_params=_SC_PARAMS,
        scratch_types=[
            pltpu.VMEM((BB,), jnp.int32),
            pltpu.VMEM((BB, w), jnp.float32),
            pltpu.VMEM_SHARED((NPAD, w), jnp.float32),
        ],
    )
    return k(rows, dst_p, z)


def _gather2_body(xl_hbm, xr_hbm, src_hbm, dst_hbm, xlg_hbm, xrg_hbm,
                  sidx, didx, xbuf, ybuf):
    c = lax.axis_index("c")
    s = lax.axis_index("s")
    wid = c * NSUB + s

    def chunk(j, carry):
        base = wid * EW + j * BB
        pltpu.sync_copy(src_hbm.at[pl.ds(base, BB)], sidx)
        pltpu.sync_copy(dst_hbm.at[pl.ds(base, BB)], didx)
        pltpu.sync_copy(xl_hbm.at[sidx], xbuf)
        pltpu.sync_copy(xr_hbm.at[didx], ybuf)
        pltpu.sync_copy(xbuf, xlg_hbm.at[pl.ds(base, BB)])
        pltpu.sync_copy(ybuf, xrg_hbm.at[pl.ds(base, BB)])
        return carry

    lax.fori_loop(0, NCHUNK, chunk, 0)


def _sc_gather2(xl, xr_full, src_p, dst_p):
    k = pl.kernel(
        _gather2_body,
        out_type=(jax.ShapeDtypeStruct((EPAD, HC), jnp.float32),
                  jax.ShapeDtypeStruct((EPAD, HC), jnp.float32)),
        mesh=_SC_MESH,
        compiler_params=_SC_PARAMS,
        scratch_types=[
            pltpu.VMEM((BB,), jnp.int32),
            pltpu.VMEM((BB,), jnp.int32),
            pltpu.VMEM((BB, HC), jnp.float32),
            pltpu.VMEM((BB, HC), jnp.float32),
        ],
    )
    return k(xl, xr_full, src_p, dst_p)


def _gather16_body(tab_hbm, idx_hbm, out_hbm, idx_v, buf):
    c = lax.axis_index("c")
    s = lax.axis_index("s")
    wid = c * NSUB + s

    def chunk(j, carry):
        base = wid * EW + j * BB
        pltpu.sync_copy(idx_hbm.at[pl.ds(base, BB)], idx_v)
        pltpu.sync_copy(tab_hbm.at[idx_v], buf)
        pltpu.sync_copy(buf, out_hbm.at[pl.ds(base, BB)])
        return carry

    lax.fori_loop(0, NCHUNK, chunk, 0)


def _sc_gather16(tab, idx):
    k = pl.kernel(
        _gather16_body,
        out_type=jax.ShapeDtypeStruct((EPAD, 16), jnp.float32),
        mesh=_SC_MESH,
        compiler_params=_SC_PARAMS,
        scratch_types=[
            pltpu.VMEM((BB,), jnp.int32),
            pltpu.VMEM((BB, 16), jnp.float32),
        ],
    )
    return k(tab, idx)



def kernel(x, node_type, edge_index, edge_attr, global_feats, batch,
           type_emb, W1, b1, Wl, bl, Wr, br, We, att, bias_g, Wg, bg,
           Wh1, bh1, Wh2, bh2):
    src = edge_index[0].astype(jnp.int32)
    dst = edge_index[1].astype(jnp.int32)
    pad_n = EPAD - E
    src_p = jnp.concatenate([src, jnp.zeros((pad_n,), jnp.int32)])
    dst_p = jnp.concatenate([dst, jnp.full((pad_n,), N, jnp.int32)])
    ea16 = jnp.concatenate(
        [edge_attr, jnp.ones((E, 1), jnp.float32),
         jnp.zeros((E, 4), jnp.float32)], axis=1)
    ea16_p = jnp.concatenate([ea16, jnp.zeros((pad_n, 16), jnp.float32)],
                             axis=0)
    We16 = jnp.concatenate([We, jnp.zeros((5, HC), jnp.float32)], axis=0)
    attD = (jnp.eye(4, dtype=jnp.float32)[:, None, :]
            * att[:, :, None]).reshape(HC, 4)
    I416 = jnp.eye(4, 16, dtype=jnp.float32)
    te = jnp.take(type_emb, node_type, axis=0)
    xin = jnp.concatenate([x, te], axis=1)
    z16 = jnp.zeros((NPAD, 16), jnp.float32)
    z64 = jnp.zeros((NPAD, C), jnp.float32)

    xl, xr = _encode(xin, W1, b1, Wl, bl, Wr, br)
    xr_full = jnp.concatenate([xr, jnp.zeros((16, HC), jnp.float32)], axis=0)
    accA = _sc_scatter_add(ea16_p, dst_p, z16)
    xlg, xrg = _sc_gather2(xl, xr_full, src_p, dst_p)
    ex16 = _logits(xlg, xrg, ea16_p, We16, attD, I416)
    accS = _sc_scatter_add(ex16, dst_p, z16)
    rdenN, msg_self = _mid(xl, xr, accA[0, :N], accA[1, :N],
                           accS[0, :N], accS[1, :N], We16, attD, I416)
    rden_full = jnp.concatenate([rdenN, jnp.zeros((16, 16), jnp.float32)],
                                axis=0)
    rd_g = _sc_gather16(rden_full, dst_p)
    msg = _msg(xlg, ex16, rd_g)
    accM = _sc_scatter_add(msg, dst_p, z64)
    psum = _final(accM[0, :N], accM[1, :N], msg_self, bias_g[None, :])
    pooled = psum / 10000.0
    gproj = jax.nn.relu(global_feats @ Wg + bg)
    combined = jnp.concatenate([pooled, gproj], axis=1)
    hid = jax.nn.relu(combined @ Wh1 + bh1)
    out2 = hid @ Wh2 + bh2
    return out2.reshape(1)

# --- scband reference (transcript-rebuilt; emitter-appended) ---
"""Pipeline reference for scband-int-gnn-13194139533877 (READ-ONLY COPY).

The authoritative reference and input builder live on the scoring server;
editing this copy changes nothing except your own understanding.
"""

import jax, jax.numpy as jnp
import numpy as np

N = 10000
E = 160000
H = 4
C = 64

def setup_inputs(seed: int = 0) -> dict:
    key = jax.random.key(seed)
    ks = jax.random.split(key, 24)
    inp = {}
    inp['x'] = jax.random.normal(ks[0], (N, 6), dtype=jnp.float32)
    inp['node_type'] = jax.random.randint(ks[1], (N,), 0, 3)
    inp['edge_index'] = jax.random.randint(ks[2], (2, E), 0, N)
    inp['edge_attr'] = jax.random.normal(ks[3], (E, 11), dtype=jnp.float32)
    inp['global_feats'] = jax.random.normal(ks[4], (1, 6), dtype=jnp.float32)
    inp['batch'] = jnp.zeros((N,), dtype=jnp.int32)
    s = 0.1
    inp['type_emb'] = jax.random.normal(ks[5], (3, 4), dtype=jnp.float32) * s
    inp['W1'] = jax.random.normal(ks[6], (10, C), dtype=jnp.float32) * s
    inp['b1'] = jnp.zeros((C,), dtype=jnp.float32)
    inp['Wl'] = jax.random.normal(ks[7], (C, H * C), dtype=jnp.float32) * s
    inp['bl'] = jnp.zeros((H * C,), dtype=jnp.float32)
    inp['Wr'] = jax.random.normal(ks[8], (C, H * C), dtype=jnp.float32) * s
    inp['br'] = jnp.zeros((H * C,), dtype=jnp.float32)
    inp['We'] = jax.random.normal(ks[9], (11, H * C), dtype=jnp.float32) * s
    inp['att'] = jax.random.normal(ks[10], (H, C), dtype=jnp.float32) * s
    inp['bias_g'] = jnp.zeros((C,), dtype=jnp.float32)
    inp['Wg'] = jax.random.normal(ks[11], (6, C), dtype=jnp.float32) * s
    inp['bg'] = jnp.zeros((C,), dtype=jnp.float32)
    inp['Wh1'] = jax.random.normal(ks[12], (2 * C, C), dtype=jnp.float32) * s
    inp['bh1'] = jnp.zeros((C,), dtype=jnp.float32)
    inp['Wh2'] = jax.random.normal(ks[13], (C, 1), dtype=jnp.float32) * s
    inp['bh2'] = jnp.zeros((1,), dtype=jnp.float32)
    return inp

def _forward(x, edge_attr, global_feats, type_emb, W1, b1, Wl, bl, Wr, br, We, att, bias_g, Wg, bg, Wh1, bh1, Wh2, bh2, node_type, edge_index, batch):
    n = x.shape[0]
    # type embedding lookup + node encoder
    te = jnp.take(type_emb, node_type, axis=0)
    xin = jnp.concatenate([x, te], axis=1)
    h = jax.nn.relu(xin @ W1 + b1)
    # GATv2Conv with edge_dim, heads=4, concat=False, add_self_loops (fill_value='mean')
    src = edge_index[0]
    dst = edge_index[1]
    ones_e = jnp.ones((src.shape[0],), dtype=jnp.float32)
    deg = jax.ops.segment_sum(ones_e, dst, num_segments=n)
    ea_mean = jax.ops.segment_sum(edge_attr, dst, num_segments=n) / jnp.clip(deg, 1.0)[:, None]
    loop = jnp.arange(n, dtype=src.dtype)
    src2 = jnp.concatenate([src, loop])
    dst2 = jnp.concatenate([dst, loop])
    ea2 = jnp.concatenate([edge_attr, ea_mean], axis=0)
    xl = (h @ Wl + bl).reshape(n, H, C)
    xr = (h @ Wr + br).reshape(n, H, C)
    ee = (ea2 @ We).reshape(-1, H, C)
    e = jax.nn.leaky_relu(xl[src2] + xr[dst2] + ee, negative_slope=0.2)
    logits = (e * att[None, :, :]).sum(axis=-1)  # [E2, H]
    m = jax.ops.segment_max(logits, dst2, num_segments=n)
    logits = logits - m[dst2]
    ex = jnp.exp(logits)
    denom = jax.ops.segment_sum(ex, dst2, num_segments=n)
    alpha = ex / denom[dst2]
    msg = xl[src2] * alpha[:, :, None]
    out = jax.ops.segment_sum(msg, dst2, num_segments=n)  # [N, H, C]
    out = out.mean(axis=1) + bias_g  # concat=False -> head mean
    hh = jax.nn.relu(out)
    # global mean pool (single graph, batch all zeros)
    cnt = jax.ops.segment_sum(jnp.ones((n,), jnp.float32), batch, num_segments=1)
    pooled = jax.ops.segment_sum(hh, batch, num_segments=1) / jnp.clip(cnt, 1.0)[:, None]
    gproj = jax.nn.relu(global_feats @ Wg + bg)
    combined = jnp.concatenate([pooled, gproj], axis=1)
    hid = jax.nn.relu(combined @ Wh1 + bh1)
    out2 = hid @ Wh2 + bh2  # dropout is identity in eval
    return out2.squeeze(1)

def reference(x, node_type, edge_index, edge_attr, global_feats, batch, type_emb, W1, b1, Wl, bl, Wr, br, We, att, bias_g, Wg, bg, Wh1, bh1, Wh2, bh2):
    return _forward(x, edge_attr, global_feats, type_emb, W1, b1, Wl, bl, Wr, br, We, att, bias_g, Wg, bg, Wh1, bh1, Wh2, bh2, node_type, edge_index, batch)

if __name__ == "__main__":
    import jax
    _d = setup_inputs()
    print(jax.jit(kernel)(*tuple(_d.values())))

</pallas_src>

<mosaic_0001>
#map = affine_map<(d0, d1) -> (0, 0)>
#map1 = affine_map<(d0, d1) -> (0)>
module attributes {stable_mosaic.version = 14 : i64} {
  func.func @_gather2_body(%arg0: i32, %arg1: i32, %arg2: memref<10000x256xf32, #tpu.memory_space<hbm>>, %arg3: memref<10016x256xf32, #tpu.memory_space<hbm>>, %arg4: memref<163840xi32, #tpu.memory_space<hbm>>, %arg5: memref<163840xi32, #tpu.memory_space<hbm>>, %arg6: memref<163840x256xf32, #tpu.memory_space<hbm>>, %arg7: memref<163840x256xf32, #tpu.memory_space<hbm>>, %arg8: memref<128xi32, #tpu.memory_space<vmem>>, %arg9: memref<128xi32, #tpu.memory_space<vmem>>, %arg10: memref<128x256xf32, #tpu.memory_space<vmem>>, %arg11: memref<128x256xf32, #tpu.memory_space<vmem>>) attributes {dimension_semantics = [#tpu.dimension_semantics<core_parallel>, #tpu.dimension_semantics<subcore_parallel>], iteration_bounds = array<i64: 2, 16>, scalar_prefetch = 0 : i64, scratch_operands = 4 : i64, tpu.core_type = #tpu.core_type<sc_vector_subcore>, window_params = [{transform_indices = #map}, {transform_indices = #map}, {transform_indices = #map1}, {transform_indices = #map1}, {transform_indices = #map}, {transform_indices = #map}]} {
    %mul3A = arith.constant 16 : i32
    %mul3A_0 = arith.muli %arg0, %mul3A : i32
    %add3A = arith.addi %mul3A_0, %arg1 : i32
    %scan3A = arith.constant 0 : i32
    %scan3A_1 = arith.constant 0 : i32
    %scan3A_2 = arith.constant 40 : i32
    %scan3A_3 = arith.addi %scan3A_1, %scan3A_2 : i32
    %scan3A_4 = arith.constant 1 : i32
    scf.for %scan3A_6 = %scan3A_1 to %scan3A_3 step %scan3A_4  : i32 {
      %mul3A_7 = arith.constant 5120 : i32
      %mul3A_8 = arith.muli %add3A, %mul3A_7 : i32
      %mul3A_9 = arith.constant 128 : i32
      %mul3A_10 = arith.muli %scan3A_6, %mul3A_9 : i32
      %add3A_11 = arith.addi %mul3A_8, %mul3A_10 : i32
      "tpu.region"() ({
        %run_scoped3A = tpu.sem_alloc : memref<!tpu.dma_semaphore, #tpu.memory_space<semaphore_mem>>
        %dma_start3A = tpu.memref_slice %arg4[%add3A_11] : memref<163840xi32, #tpu.memory_space<hbm>> -> memref<128xi32, #tpu.memory_space<hbm>>
        %dma_start3A_12 = tpu.memref_slice %arg4[%add3A_11] : memref<163840xi32, #tpu.memory_space<hbm>> -> memref<128xi32, #tpu.memory_space<hbm>>
        tpu.enqueue_dma source(%dma_start3A_12 : memref<128xi32, #tpu.memory_space<hbm>>) target(%arg8 : memref<128xi32, #tpu.memory_space<vmem>>) target_semaphore(%run_scoped3A : memref<!tpu.dma_semaphore, #tpu.memory_space<semaphore_mem>>)
        %dma_wait3A = tpu.memref_slice %arg4[%add3A_11] : memref<163840xi32, #tpu.memory_space<hbm>> -> memref<128xi32, #tpu.memory_space<hbm>>
        %dma_wait3A_13 = tpu.memref_slice %arg4[%add3A_11] : memref<163840xi32, #tpu.memory_space<hbm>> -> memref<128xi32, #tpu.memory_space<hbm>>
        tpu.wait_dma2 semaphore(%run_scoped3A : memref<!tpu.dma_semaphore, #tpu.memory_space<semaphore_mem>>) src(%dma_wait3A_13 : memref<128xi32, #tpu.memory_space<hbm>>) dst(%arg8 : memref<128xi32, #tpu.memory_space<vmem>>)
        tpu.yield
      }) : () -> ()
      "tpu.region"() ({
        %run_scoped3A = tpu.sem_alloc : memref<!tpu.dma_semaphore, #tpu.memory_space<semaphore_mem>>
        %dma_start3A = tpu.memref_slice %arg5[%add3A_11] : memref<163840xi32, #tpu.memory_space<hbm>> -> memref<128xi32, #tpu.memory_space<hbm>>
        %dma_start3A_12 = tpu.memref_slice %arg5[%add3A_11] : memref<163840xi32, #tpu.memory_space<hbm>> -> memref<128xi32, #tpu.memory_space<hbm>>
        tpu.enqueue_dma source(%dma_start3A_12 : memref<128xi32, #tpu.memory_space<hbm>>) target(%arg9 : memref<128xi32, #tpu.memory_space<vmem>>) target_semaphore(%run_scoped3A : memref<!tpu.dma_semaphore, #tpu.memory_space<semaphore_mem>>)
        %dma_wait3A = tpu.memref_slice %arg5[%add3A_11] : memref<163840xi32, #tpu.memory_space<hbm>> -> memref<128xi32, #tpu.memory_space<hbm>>
        %dma_wait3A_13 = tpu.memref_slice %arg5[%add3A_11] : memref<163840xi32, #tpu.memory_space<hbm>> -> memref<128xi32, #tpu.memory_space<hbm>>
        tpu.wait_dma2 semaphore(%run_scoped3A : memref<!tpu.dma_semaphore, #tpu.memory_space<semaphore_mem>>) src(%dma_wait3A_13 : memref<128xi32, #tpu.memory_space<hbm>>) dst(%arg9 : memref<128xi32, #tpu.memory_space<vmem>>)
        tpu.yield
      }) : () -> ()
      "tpu.region"() ({
        %run_scoped3A = tpu.sem_alloc : memref<!tpu.dma_semaphore, #tpu.memory_space<semaphore_mem>>
        %dma_start3A = arith.constant 0 : i32
        %dma_start3A_12 = arith.constant 0 : i32
        %dma_start3A_13 = tpu.memref_slice %arg2[%dma_start3A, %dma_start3A_12] : memref<10000x256xf32, #tpu.memory_space<hbm>> -> memref<10000x256xf32, #tpu.memory_space<hbm>>
        tpu.enqueue_indirect_dma source(%dma_start3A_13 : memref<10000x256xf32, #tpu.memory_space<hbm>>) target(%arg10 : memref<128x256xf32, #tpu.memory_space<vmem>>) offsets(%arg8 : memref<128xi32, #tpu.memory_space<vmem>>) semaphore(%run_scoped3A : memref<!tpu.dma_semaphore, #tpu.memory_space<semaphore_mem>>)
        %dma_wait3A = arith.constant 0 : i32
        %dma_wait3A_14 = arith.constant 0 : i32
        %dma_wait3A_15 = tpu.memref_slice %arg2[%dma_wait3A, %dma_wait3A_14] : memref<10000x256xf32, #tpu.memory_space<hbm>> -> memref<10000x256xf32, #tpu.memory_space<hbm>>
        tpu.wait_indirect_dma semaphore(%run_scoped3A : memref<!tpu.dma_semaphore, #tpu.memory_space<semaphore_mem>>) src(%dma_wait3A_15 : memref<10000x256xf32, #tpu.memory_space<hbm>>) dst(%arg10 : memref<128x256xf32, #tpu.memory_space<vmem>>)
        tpu.yield
      }) : () -> ()
      "tpu.region"() ({
        %run_scoped3A = tpu.sem_alloc : memref<!tpu.dma_semaphore, #tpu.memory_space<semaphore_mem>>
        %dma_start3A = arith.constant 0 : i32
        %dma_start3A_12 = arith.constant 0 : i32
        %dma_start3A_13 = tpu.memref_slice %arg3[%dma_start3A, %dma_start3A_12] : memref<10016x256xf32, #tpu.memory_space<hbm>> -> memref<10016x256xf32, #tpu.memory_space<hbm>>
        tpu.enqueue_indirect_dma source(%dma_start3A_13 : memref<10016x256xf32, #tpu.memory_space<hbm>>) target(%arg11 : memref<128x256xf32, #tpu.memory_space<vmem>>) offsets(%arg9 : memref<128xi32, #tpu.memory_space<vmem>>) semaphore(%run_scoped3A : memref<!tpu.dma_semaphore, #tpu.memory_space<semaphore_mem>>)
        %dma_wait3A = arith.constant 0 : i32
        %dma_wait3A_14 = arith.constant 0 : i32
        %dma_wait3A_15 = tpu.memref_slice %arg3[%dma_wait3A, %dma_wait3A_14] : memref<10016x256xf32, #tpu.memory_space<hbm>> -> memref<10016x256xf32, #tpu.memory_space<hbm>>
        tpu.wait_indirect_dma semaphore(%run_scoped3A : memref<!tpu.dma_semaphore, #tpu.memory_space<semaphore_mem>>) src(%dma_wait3A_15 : memref<10016x256xf32, #tpu.memory_space<hbm>>) dst(%arg11 : memref<128x256xf32, #tpu.memory_space<vmem>>)
        tpu.yield
      }) : () -> ()
      "tpu.region"() ({
        %run_scoped3A = tpu.sem_alloc : memref<!tpu.dma_semaphore, #tpu.memory_space<semaphore_mem>>
        %dma_start3A = arith.constant 0 : i32
        %dma_start3A_12 = tpu.memref_slice %arg6[%add3A_11, %dma_start3A] : memref<163840x256xf32, #tpu.memory_space<hbm>> -> memref<128x256xf32, #tpu.memory_space<hbm>>
        %dma_start3A_13 = arith.constant 0 : i32
        %dma_start3A_14 = tpu.memref_slice %arg6[%add3A_11, %dma_start3A_13] : memref<163840x256xf32, #tpu.memory_space<hbm>> -> memref<128x256xf32, #tpu.memory_space<hbm>>
        tpu.enqueue_dma source(%arg10 : memref<128x256xf32, #tpu.memory_space<vmem>>) target(%dma_start3A_14 : memref<128x256xf32, #tpu.memory_space<hbm>>) target_semaphore(%run_scoped3A : memref<!tpu.dma_semaphore, #tpu.memory_space<semaphore_mem>>)
        %dma_wait3A = arith.constant 0 : i32
        %dma_wait3A_15 = tpu.memref_slice %arg6[%add3A_11, %dma_wait3A] : memref<163840x256xf32, #tpu.memory_space<hbm>> -> memref<128x256xf32, #tpu.memory_space<hbm>>
        %dma_wait3A_16 = arith.constant 0 : i32
        %dma_wait3A_17 = tpu.memref_slice %arg6[%add3A_11, %dma_wait3A_16] : memref<163840x256xf32, #tpu.memory_space<hbm>> -> memref<128x256xf32, #tpu.memory_space<hbm>>
        tpu.wait_dma2 semaphore(%run_scoped3A : memref<!tpu.dma_semaphore, #tpu.memory_space<semaphore_mem>>) src(%arg10 : memref<128x256xf32, #tpu.memory_space<vmem>>) dst(%dma_wait3A_17 : memref<128x256xf32, #tpu.memory_space<hbm>>)
        tpu.yield
      }) : () -> ()
      "tpu.region"() ({
        %run_scoped3A = tpu.sem_alloc : memref<!tpu.dma_semaphore, #tpu.memory_space<semaphore_mem>>
        %dma_start3A = arith.constant 0 : i32
        %dma_start3A_12 = tpu.memref_slice %arg7[%add3A_11, %dma_start3A] : memref<163840x256xf32, #tpu.memory_space<hbm>> -> memref<128x256xf32, #tpu.memory_space<hbm>>
        %dma_start3A_13 = arith.constant 0 : i32
        %dma_start3A_14 = tpu.memref_slice %arg7[%add3A_11, %dma_start3A_13] : memref<163840x256xf32, #tpu.memory_space<hbm>> -> memref<128x256xf32, #tpu.memory_space<hbm>>
        tpu.enqueue_dma source(%arg11 : memref<128x256xf32, #tpu.memory_space<vmem>>) target(%dma_start3A_14 : memref<128x256xf32, #tpu.memory_space<hbm>>) target_semaphore(%run_scoped3A : memref<!tpu.dma_semaphore, #tpu.memory_space<semaphore_mem>>)
        %dma_wait3A = arith.constant 0 : i32
        %dma_wait3A_15 = tpu.memref_slice %arg7[%add3A_11, %dma_wait3A] : memref<163840x256xf32, #tpu.memory_space<hbm>> -> memref<128x256xf32, #tpu.memory_space<hbm>>
        %dma_wait3A_16 = arith.constant 0 : i32
        %dma_wait3A_17 = tpu.memref_slice %arg7[%add3A_11, %dma_wait3A_16] : memref<163840x256xf32, #tpu.memory_space<hbm>> -> memref<128x256xf32, #tpu.memory_space<hbm>>
        tpu.wait_dma2 semaphore(%run_scoped3A : memref<!tpu.dma_semaphore, #tpu.memory_space<semaphore_mem>>) src(%arg11 : memref<128x256xf32, #tpu.memory_space<vmem>>) dst(%dma_wait3A_17 : memref<128x256xf32, #tpu.memory_space<hbm>>)
        tpu.yield
      }) : () -> ()
    }
    %scan3A_5 = arith.constant 40 : i32
    return
  }
}

#map = affine_map<(d0, d1) -> (0, 0)>
#map1 = affine_map<(d0, d1) -> (0)>
#map2 = affine_map<(d0, d1) -> (0, 0, 0)>
module attributes {stable_mosaic.version = 14 : i64} {
  func.func @body(%arg0: i32, %arg1: i32, %arg2: memref<163840x16xf32, #tpu.memory_space<hbm>>, %arg3: memref<163840xi32, #tpu.memory_space<hbm>>, %arg4: memref<10112x16xf32, #tpu.memory_space<hbm>>, %arg5: memref<2x10112x16xf32, #tpu.memory_space<hbm>>, %arg6: memref<128xi32, #tpu.memory_space<vmem>>, %arg7: memref<128x16xf32, #tpu.memory_space<vmem>>, %arg8: memref<10112x16xf32, #tpu.memory_space<vmem_shared>>) attributes {dimension_semantics = [#tpu.dimension_semantics<core_parallel>, #tpu.dimension_semantics<subcore_parallel>], iteration_bounds = array<i64: 2, 16>, scalar_prefetch = 0 : i64, scratch_operands = 3 : i64, tpu.core_type = #tpu.core_type<sc_vector_subcore>, window_params = [{transform_indices = #map}, {transform_indices = #map1}, {transform_indices = #map}, {transform_indices = #map2}]} {
    %mul3A = arith.constant 16 : i32
    %mul3A_0 = arith.muli %arg0, %mul3A : i32
    %add3A = arith.addi %mul3A_0, %arg1 : i32
    %mul3A_1 = arith.constant 632 : i32
    %mul3A_2 = arith.muli %arg1, %mul3A_1 : i32
    %mul3A_3 = arith.constant 632 : i32
    %mul3A_4 = arith.muli %arg1, %mul3A_3 : i32
    "tpu.region"() ({
      %run_scoped3A = tpu.sem_alloc : memref<!tpu.dma_semaphore, #tpu.memory_space<semaphore_mem>>
      %dma_start3A = arith.constant 0 : i32
      %dma_start3A_15 = tpu.memref_slice %arg8[%mul3A_4, %dma_start3A] : memref<10112x16xf32, #tpu.memory_space<vmem_shared>> -> memref<632x16xf32, #tpu.memory_space<vmem_shared>>
      %dma_start3A_16 = arith.constant 0 : i32
      %dma_start3A_17 = tpu.memref_slice %arg4[%mul3A_2, %dma_start3A_16] : memref<10112x16xf32, #tpu.memory_space<hbm>> -> memref<632x16xf32, #tpu.memory_space<hbm>>
      tpu.enqueue_dma source(%dma_start3A_17 : memref<632x16xf32, #tpu.memory_space<hbm>>) target(%dma_start3A_15 : memref<632x16xf32, #tpu.memory_space<vmem_shared>>) target_semaphore(%run_scoped3A : memref<!tpu.dma_semaphore, #tpu.memory_space<semaphore_mem>>)
      %dma_wait3A = arith.constant 0 : i32
      %dma_wait3A_18 = tpu.memref_slice %arg8[%mul3A_4, %dma_wait3A] : memref<10112x16xf32, #tpu.memory_space<vmem_shared>> -> memref<632x16xf32, #tpu.memory_space<vmem_shared>>
      %dma_wait3A_19 = arith.constant 0 : i32
      %dma_wait3A_20 = tpu.memref_slice %arg4[%mul3A_2, %dma_wait3A_19] : memref<10112x16xf32, #tpu.memory_space<hbm>> -> memref<632x16xf32, #tpu.memory_space<hbm>>
      tpu.wait_dma2 semaphore(%run_scoped3A : memref<!tpu.dma_semaphore, #tpu.memory_space<semaphore_mem>>) src(%dma_wait3A_20 : memref<632x16xf32, #tpu.memory_space<hbm>>) dst(%dma_wait3A_18 : memref<632x16xf32, #tpu.memory_space<vmem_shared>>)
      tpu.yield
    }) : () -> ()
    %barrier3A = arith.constant 0 : index
    tpu.barrier barrier_id(%barrier3A)
    %scan3A = arith.constant 0 : i32
    %scan3A_5 = arith.constant 0 : i32
    %scan3A_6 = arith.constant 40 : i32
    %scan3A_7 = arith.addi %scan3A_5, %scan3A_6 : i32
    %scan3A_8 = arith.constant 1 : i32
    scf.for %scan3A_15 = %scan3A_5 to %scan3A_7 step %scan3A_8  : i32 {
      %mul3A_16 = arith.constant 5120 : i32
      %mul3A_17 = arith.muli %add3A, %mul3A_16 : i32
      %mul3A_18 = arith.constant 128 : i32
      %mul3A_19 = arith.muli %scan3A_15, %mul3A_18 : i32
      %add3A_20 = arith.addi %mul3A_17, %mul3A_19 : i32
      "tpu.region"() ({
        %run_scoped3A = tpu.sem_alloc : memref<!tpu.dma_semaphore, #tpu.memory_space<semaphore_mem>>
        %dma_start3A = tpu.memref_slice %arg3[%add3A_20] : memref<163840xi32, #tpu.memory_space<hbm>> -> memref<128xi32, #tpu.memory_space<hbm>>
        %dma_start3A_21 = tpu.memref_slice %arg3[%add3A_20] : memref<163840xi32, #tpu.memory_space<hbm>> -> memref<128xi32, #tpu.memory_space<hbm>>
        tpu.enqueue_dma source(%dma_start3A_21 : memref<128xi32, #tpu.memory_space<hbm>>) target(%arg6 : memref<128xi32, #tpu.memory_space<vmem>>) target_semaphore(%run_scoped3A : memref<!tpu.dma_semaphore, #tpu.memory_space<semaphore_mem>>)
        %dma_wait3A = tpu.memref_slice %arg3[%add3A_20] : memref<163840xi32, #tpu.memory_space<hbm>> -> memref<128xi32, #tpu.memory_space<hbm>>
        %dma_wait3A_22 = tpu.memref_slice %arg3[%add3A_20] : memref<163840xi32, #tpu.memory_space<hbm>> -> memref<128xi32, #tpu.memory_space<hbm>>
        tpu.wait_dma2 semaphore(%run_scoped3A : memref<!tpu.dma_semaphore, #tpu.memory_space<semaphore_mem>>) src(%dma_wait3A_22 : memref<128xi32, #tpu.memory_space<hbm>>) dst(%arg6 : memref<128xi32, #tpu.memory_space<vmem>>)
        tpu.yield
      }) : () -> ()
      "tpu.region"() ({
        %run_scoped3A = tpu.sem_alloc : memref<!tpu.dma_semaphore, #tpu.memory_space<semaphore_mem>>
        %dma_start3A = arith.constant 0 : i32
        %dma_start3A_21 = tpu.memref_slice %arg2[%add3A_20, %dma_start3A] : memref<163840x16xf32, #tpu.memory_space<hbm>> -> memref<128x16xf32, #tpu.memory_space<hbm>>
        %dma_start3A_22 = arith.constant 0 : i32
        %dma_start3A_23 = tpu.memref_slice %arg2[%add3A_20, %dma_start3A_22] : memref<163840x16xf32, #tpu.memory_space<hbm>> -> memref<128x16xf32, #tpu.memory_space<hbm>>
        tpu.enqueue_dma source(%dma_start3A_23 : memref<128x16xf32, #tpu.memory_space<hbm>>) target(%arg7 : memref<128x16xf32, #tpu.memory_space<vmem>>) target_semaphore(%run_scoped3A : memref<!tpu.dma_semaphore, #tpu.memory_space<semaphore_mem>>)
        %dma_wait3A = arith.constant 0 : i32
        %dma_wait3A_24 = tpu.memref_slice %arg2[%add3A_20, %dma_wait3A] : memref<163840x16xf32, #tpu.memory_space<hbm>> -> memref<128x16xf32, #tpu.memory_space<hbm>>
        %dma_wait3A_25 = arith.constant 0 : i32
        %dma_wait3A_26 = tpu.memref_slice %arg2[%add3A_20, %dma_wait3A_25] : memref<163840x16xf32, #tpu.memory_space<hbm>> -> memref<128x16xf32, #tpu.memory_space<hbm>>
        tpu.wait_dma2 semaphore(%run_scoped3A : memref<!tpu.dma_semaphore, #tpu.memory_space<semaphore_mem>>) src(%dma_wait3A_26 : memref<128x16xf32, #tpu.memory_space<hbm>>) dst(%arg7 : memref<128x16xf32, #tpu.memory_space<vmem>>)
        tpu.yield
      }) : () -> ()
      "tpu.region"() ({
        %run_scoped3A = tpu.sem_alloc : memref<!tpu.dma_semaphore, #tpu.memory_space<semaphore_mem>>
        %dma_start3A = arith.constant 0 : i32
        %dma_start3A_21 = arith.constant 0 : i32
        %dma_start3A_22 = tpu.memref_slice %arg8[%dma_start3A, %dma_start3A_21] : memref<10112x16xf32, #tpu.memory_space<vmem_shared>> -> memref<10112x16xf32, #tpu.memory_space<vmem_shared>>
        tpu.enqueue_indirect_dma source(%arg7 : memref<128x16xf32, #tpu.memory_space<vmem>>) target(%dma_start3A_22 : memref<10112x16xf32, #tpu.memory_space<vmem_shared>>) offsets(%arg6 : memref<128xi32, #tpu.memory_space<vmem>>) semaphore(%run_scoped3A : memref<!tpu.dma_semaphore, #tpu.memory_space<semaphore_mem>>) {add = true}
        %dma_wait3A = arith.constant 0 : i32
        %dma_wait3A_23 = arith.constant 0 : i32
        %dma_wait3A_24 = tpu.memref_slice %arg8[%dma_wait3A, %dma_wait3A_23] : memref<10112x16xf32, #tpu.memory_space<vmem_shared>> -> memref<10112x16xf32, #tpu.memory_space<vmem_shared>>
        tpu.wait_indirect_dma semaphore(%run_scoped3A : memref<!tpu.dma_semaphore, #tpu.memory_space<semaphore_mem>>) src(%arg7 : memref<128x16xf32, #tpu.memory_space<vmem>>) dst(%dma_wait3A_24 : memref<10112x16xf32, #tpu.memory_space<vmem_shared>>)
        tpu.yield
      }) : () -> ()
    }
    %scan3A_9 = arith.constant 40 : i32
    %barrier3A_10 = arith.constant 0 : index
    tpu.barrier barrier_id(%barrier3A_10)
    %mul3A_11 = arith.constant 632 : i32
    %mul3A_12 = arith.muli %arg1, %mul3A_11 : i32
    %mul3A_13 = arith.constant 632 : i32
    %mul3A_14 = arith.muli %arg1, %mul3A_13 : i32
    "tpu.region"() ({
      %run_scoped3A = tpu.sem_alloc : memref<!tpu.dma_semaphore, #tpu.memory_space<semaphore_mem>>
      %dma_start3A = arith.constant 0 : i32
      %dma_start3A_15 = tpu.memref_slice %arg5[%arg0, %mul3A_14, %dma_start3A] : memref<2x10112x16xf32, #tpu.memory_space<hbm>> -> memref<1x632x16xf32, #tpu.memory_space<hbm>>
      %dma_start3A_16 = tpu.memref_squeeze %dma_start3A_15 : memref<1x632x16xf32, #tpu.memory_space<hbm>> -> memref<632x16xf32, #tpu.memory_space<hbm>>
      %dma_start3A_17 = arith.constant 0 : i32
      %dma_start3A_18 = tpu.memref_slice %arg8[%mul3A_12, %dma_start3A_17] : memref<10112x16xf32, #tpu.memory_space<vmem_shared>> -> memref<632x16xf32, #tpu.memory_space<vmem_shared>>
      tpu.enqueue_dma source(%dma_start3A_18 : memref<632x16xf32, #tpu.memory_space<vmem_shared>>) target(%dma_start3A_16 : memref<632x16xf32, #tpu.memory_space<hbm>>) target_semaphore(%run_scoped3A : memref<!tpu.dma_semaphore, #tpu.memory_space<semaphore_mem>>)
      %dma_wait3A = arith.constant 0 : i32
      %dma_wait3A_19 = tpu.memref_slice %arg5[%arg0, %mul3A_14, %dma_wait3A] : memref<2x10112x16xf32, #tpu.memory_space<hbm>> -> memref<1x632x16xf32, #tpu.memory_space<hbm>>
      %dma_wait3A_20 = tpu.memref_squeeze %dma_wait3A_19 : memref<1x632x16xf32, #tpu.memory_space<hbm>> -> memref<632x16xf32, #tpu.memory_space<hbm>>
      %dma_wait3A_21 = arith.constant 0 : i32
      %dma_wait3A_22 = tpu.memref_slice %arg8[%mul3A_12, %dma_wait3A_21] : memref<10112x16xf32, #tpu.memory_space<vmem_shared>> -> memref<632x16xf32, #tpu.memory_space<vmem_shared>>
      tpu.wait_dma2 semaphore(%run_scoped3A : memref<!tpu.dma_semaphore, #tpu.memory_space<semaphore_mem>>) src(%dma_wait3A_22 : memref<632x16xf32, #tpu.memory_space<vmem_shared>>) dst(%dma_wait3A_20 : memref<632x16xf32, #tpu.memory_space<hbm>>)
      tpu.yield
    }) : () -> ()
    return
  }
}

#map = affine_map<(d0, d1) -> (0, 0)>
#map1 = affine_map<(d0, d1) -> (0)>
#map2 = affine_map<(d0, d1) -> (0, 0, 0)>
module attributes {stable_mosaic.version = 14 : i64} {
  func.func @body(%arg0: i32, %arg1: i32, %arg2: memref<163840x16xf32, #tpu.memory_space<hbm>>, %arg3: memref<163840xi32, #tpu.memory_space<hbm>>, %arg4: memref<10112x16xf32, #tpu.memory_space<hbm>>, %arg5: memref<2x10112x16xf32, #tpu.memory_space<hbm>>, %arg6: memref<128xi32, #tpu.memory_space<vmem>>, %arg7: memref<128x16xf32, #tpu.memory_space<vmem>>, %arg8: memref<10112x16xf32, #tpu.memory_space<vmem_shared>>) attributes {dimension_semantics = [#tpu.dimension_semantics<core_parallel>, #tpu.dimension_semantics<subcore_parallel>], iteration_bounds = array<i64: 2, 16>, scalar_prefetch = 0 : i64, scratch_operands = 3 : i64, tpu.core_type = #tpu.core_type<sc_vector_subcore>, window_params = [{transform_indices = #map}, {transform_indices = #map1}, {transform_indices = #map}, {transform_indices = #map2}]} {
    %mul3A = arith.constant 16 : i32
    %mul3A_0 = arith.muli %arg0, %mul3A : i32
    %add3A = arith.addi %mul3A_0, %arg1 : i32
    %mul3A_1 = arith.constant 632 : i32
    %mul3A_2 = arith.muli %arg1, %mul3A_1 : i32
    %mul3A_3 = arith.constant 632 : i32
    %mul3A_4 = arith.muli %arg1, %mul3A_3 : i32
    "tpu.region"() ({
      %run_scoped3A = tpu.sem_alloc : memref<!tpu.dma_semaphore, #tpu.memory_space<semaphore_mem>>
      %dma_start3A = arith.constant 0 : i32
      %dma_start3A_15 = tpu.memref_slice %arg8[%mul3A_4, %dma_start3A] : memref<10112x16xf32, #tpu.memory_space<vmem_shared>> -> memref<632x16xf32, #tpu.memory_space<vmem_shared>>
      %dma_start3A_16 = arith.constant 0 : i32
      %dma_start3A_17 = tpu.memref_slice %arg4[%mul3A_2, %dma_start3A_16] : memref<10112x16xf32, #tpu.memory_space<hbm>> -> memref<632x16xf32, #tpu.memory_space<hbm>>
      tpu.enqueue_dma source(%dma_start3A_17 : memref<632x16xf32, #tpu.memory_space<hbm>>) target(%dma_start3A_15 : memref<632x16xf32, #tpu.memory_space<vmem_shared>>) target_semaphore(%run_scoped3A : memref<!tpu.dma_semaphore, #tpu.memory_space<semaphore_mem>>)
      %dma_wait3A = arith.constant 0 : i32
      %dma_wait3A_18 = tpu.memref_slice %arg8[%mul3A_4, %dma_wait3A] : memref<10112x16xf32, #tpu.memory_space<vmem_shared>> -> memref<632x16xf32, #tpu.memory_space<vmem_shared>>
      %dma_wait3A_19 = arith.constant 0 : i32
      %dma_wait3A_20 = tpu.memref_slice %arg4[%mul3A_2, %dma_wait3A_19] : memref<10112x16xf32, #tpu.memory_space<hbm>> -> memref<632x16xf32, #tpu.memory_space<hbm>>
      tpu.wait_dma2 semaphore(%run_scoped3A : memref<!tpu.dma_semaphore, #tpu.memory_space<semaphore_mem>>) src(%dma_wait3A_20 : memref<632x16xf32, #tpu.memory_space<hbm>>) dst(%dma_wait3A_18 : memref<632x16xf32, #tpu.memory_space<vmem_shared>>)
      tpu.yield
    }) : () -> ()
    %barrier3A = arith.constant 0 : index
    tpu.barrier barrier_id(%barrier3A)
    %scan3A = arith.constant 0 : i32
    %scan3A_5 = arith.constant 0 : i32
    %scan3A_6 = arith.constant 40 : i32
    %scan3A_7 = arith.addi %scan3A_5, %scan3A_6 : i32
    %scan3A_8 = arith.constant 1 : i32
    scf.for %scan3A_15 = %scan3A_5 to %scan3A_7 step %scan3A_8  : i32 {
      %mul3A_16 = arith.constant 5120 : i32
      %mul3A_17 = arith.muli %add3A, %mul3A_16 : i32
      %mul3A_18 = arith.constant 128 : i32
      %mul3A_19 = arith.muli %scan3A_15, %mul3A_18 : i32
      %add3A_20 = arith.addi %mul3A_17, %mul3A_19 : i32
      "tpu.region"() ({
        %run_scoped3A = tpu.sem_alloc : memref<!tpu.dma_semaphore, #tpu.memory_space<semaphore_mem>>
        %dma_start3A = tpu.memref_slice %arg3[%add3A_20] : memref<163840xi32, #tpu.memory_space<hbm>> -> memref<128xi32, #tpu.memory_space<hbm>>
        %dma_start3A_21 = tpu.memref_slice %arg3[%add3A_20] : memref<163840xi32, #tpu.memory_space<hbm>> -> memref<128xi32, #tpu.memory_space<hbm>>
        tpu.enqueue_dma source(%dma_start3A_21 : memref<128xi32, #tpu.memory_space<hbm>>) target(%arg6 : memref<128xi32, #tpu.memory_space<vmem>>) target_semaphore(%run_scoped3A : memref<!tpu.dma_semaphore, #tpu.memory_space<semaphore_mem>>)
        %dma_wait3A = tpu.memref_slice %arg3[%add3A_20] : memref<163840xi32, #tpu.memory_space<hbm>> -> memref<128xi32, #tpu.memory_space<hbm>>
        %dma_wait3A_22 = tpu.memref_slice %arg3[%add3A_20] : memref<163840xi32, #tpu.memory_space<hbm>> -> memref<128xi32, #tpu.memory_space<hbm>>
        tpu.wait_dma2 semaphore(%run_scoped3A : memref<!tpu.dma_semaphore, #tpu.memory_space<semaphore_mem>>) src(%dma_wait3A_22 : memref<128xi32, #tpu.memory_space<hbm>>) dst(%arg6 : memref<128xi32, #tpu.memory_space<vmem>>)
        tpu.yield
      }) : () -> ()
      "tpu.region"() ({
        %run_scoped3A = tpu.sem_alloc : memref<!tpu.dma_semaphore, #tpu.memory_space<semaphore_mem>>
        %dma_start3A = arith.constant 0 : i32
        %dma_start3A_21 = tpu.memref_slice %arg2[%add3A_20, %dma_start3A] : memref<163840x16xf32, #tpu.memory_space<hbm>> -> memref<128x16xf32, #tpu.memory_space<hbm>>
        %dma_start3A_22 = arith.constant 0 : i32
        %dma_start3A_23 = tpu.memref_slice %arg2[%add3A_20, %dma_start3A_22] : memref<163840x16xf32, #tpu.memory_space<hbm>> -> memref<128x16xf32, #tpu.memory_space<hbm>>
        tpu.enqueue_dma source(%dma_start3A_23 : memref<128x16xf32, #tpu.memory_space<hbm>>) target(%arg7 : memref<128x16xf32, #tpu.memory_space<vmem>>) target_semaphore(%run_scoped3A : memref<!tpu.dma_semaphore, #tpu.memory_space<semaphore_mem>>)
        %dma_wait3A = arith.constant 0 : i32
        %dma_wait3A_24 = tpu.memref_slice %arg2[%add3A_20, %dma_wait3A] : memref<163840x16xf32, #tpu.memory_space<hbm>> -> memref<128x16xf32, #tpu.memory_space<hbm>>
        %dma_wait3A_25 = arith.constant 0 : i32
        %dma_wait3A_26 = tpu.memref_slice %arg2[%add3A_20, %dma_wait3A_25] : memref<163840x16xf32, #tpu.memory_space<hbm>> -> memref<128x16xf32, #tpu.memory_space<hbm>>
        tpu.wait_dma2 semaphore(%run_scoped3A : memref<!tpu.dma_semaphore, #tpu.memory_space<semaphore_mem>>) src(%dma_wait3A_26 : memref<128x16xf32, #tpu.memory_space<hbm>>) dst(%arg7 : memref<128x16xf32, #tpu.memory_space<vmem>>)
        tpu.yield
      }) : () -> ()
      "tpu.region"() ({
        %run_scoped3A = tpu.sem_alloc : memref<!tpu.dma_semaphore, #tpu.memory_space<semaphore_mem>>
        %dma_start3A = arith.constant 0 : i32
        %dma_start3A_21 = arith.constant 0 : i32
        %dma_start3A_22 = tpu.memref_slice %arg8[%dma_start3A, %dma_start3A_21] : memref<10112x16xf32, #tpu.memory_space<vmem_shared>> -> memref<10112x16xf32, #tpu.memory_space<vmem_shared>>
        tpu.enqueue_indirect_dma source(%arg7 : memref<128x16xf32, #tpu.memory_space<vmem>>) target(%dma_start3A_22 : memref<10112x16xf32, #tpu.memory_space<vmem_shared>>) offsets(%arg6 : memref<128xi32, #tpu.memory_space<vmem>>) semaphore(%run_scoped3A : memref<!tpu.dma_semaphore, #tpu.memory_space<semaphore_mem>>) {add = true}
        %dma_wait3A = arith.constant 0 : i32
        %dma_wait3A_23 = arith.constant 0 : i32
        %dma_wait3A_24 = tpu.memref_slice %arg8[%dma_wait3A, %dma_wait3A_23] : memref<10112x16xf32, #tpu.memory_space<vmem_shared>> -> memref<10112x16xf32, #tpu.memory_space<vmem_shared>>
        tpu.wait_indirect_dma semaphore(%run_scoped3A : memref<!tpu.dma_semaphore, #tpu.memory_space<semaphore_mem>>) src(%arg7 : memref<128x16xf32, #tpu.memory_space<vmem>>) dst(%dma_wait3A_24 : memref<10112x16xf32, #tpu.memory_space<vmem_shared>>)
        tpu.yield
      }) : () -> ()
    }
    %scan3A_9 = arith.constant 40 : i32
    %barrier3A_10 = arith.constant 0 : index
    tpu.barrier barrier_id(%barrier3A_10)
    %mul3A_11 = arith.constant 632 : i32
    %mul3A_12 = arith.muli %arg1, %mul3A_11 : i32
    %mul3A_13 = arith.constant 632 : i32
    %mul3A_14 = arith.muli %arg1, %mul3A_13 : i32
    "tpu.region"() ({
      %run_scoped3A = tpu.sem_alloc : memref<!tpu.dma_semaphore, #tpu.memory_space<semaphore_mem>>
      %dma_start3A = arith.constant 0 : i32
      %dma_start3A_15 = tpu.memref_slice %arg5[%arg0, %mul3A_14, %dma_start3A] : memref<2x10112x16xf32, #tpu.memory_space<hbm>> -> memref<1x632x16xf32, #tpu.memory_space<hbm>>
      %dma_start3A_16 = tpu.memref_squeeze %dma_start3A_15 : memref<1x632x16xf32, #tpu.memory_space<hbm>> -> memref<632x16xf32, #tpu.memory_space<hbm>>
      %dma_start3A_17 = arith.constant 0 : i32
      %dma_start3A_18 = tpu.memref_slice %arg8[%mul3A_12, %dma_start3A_17] : memref<10112x16xf32, #tpu.memory_space<vmem_shared>> -> memref<632x16xf32, #tpu.memory_space<vmem_shared>>
      tpu.enqueue_dma source(%dma_start3A_18 : memref<632x16xf32, #tpu.memory_space<vmem_shared>>) target(%dma_start3A_16 : memref<632x16xf32, #tpu.memory_space<hbm>>) target_semaphore(%run_scoped3A : memref<!tpu.dma_semaphore, #tpu.memory_space<semaphore_mem>>)
      %dma_wait3A = arith.constant 0 : i32
      %dma_wait3A_19 = tpu.memref_slice %arg5[%arg0, %mul3A_14, %dma_wait3A] : memref<2x10112x16xf32, #tpu.memory_space<hbm>> -> memref<1x632x16xf32, #tpu.memory_space<hbm>>
      %dma_wait3A_20 = tpu.memref_squeeze %dma_wait3A_19 : memref<1x632x16xf32, #tpu.memory_space<hbm>> -> memref<632x16xf32, #tpu.memory_space<hbm>>
      %dma_wait3A_21 = arith.constant 0 : i32
      %dma_wait3A_22 = tpu.memref_slice %arg8[%mul3A_12, %dma_wait3A_21] : memref<10112x16xf32, #tpu.memory_space<vmem_shared>> -> memref<632x16xf32, #tpu.memory_space<vmem_shared>>
      tpu.wait_dma2 semaphore(%run_scoped3A : memref<!tpu.dma_semaphore, #tpu.memory_space<semaphore_mem>>) src(%dma_wait3A_22 : memref<632x16xf32, #tpu.memory_space<vmem_shared>>) dst(%dma_wait3A_20 : memref<632x16xf32, #tpu.memory_space<hbm>>)
      tpu.yield
    }) : () -> ()
    return
  }
}

#map = affine_map<(d0, d1) -> (0, 0)>
#map1 = affine_map<(d0, d1) -> (0)>
module attributes {stable_mosaic.version = 14 : i64} {
  func.func @_gather16_body(%arg0: i32, %arg1: i32, %arg2: memref<10016x16xf32, #tpu.memory_space<hbm>>, %arg3: memref<163840xi32, #tpu.memory_space<hbm>>, %arg4: memref<163840x16xf32, #tpu.memory_space<hbm>>, %arg5: memref<128xi32, #tpu.memory_space<vmem>>, %arg6: memref<128x16xf32, #tpu.memory_space<vmem>>) attributes {dimension_semantics = [#tpu.dimension_semantics<core_parallel>, #tpu.dimension_semantics<subcore_parallel>], iteration_bounds = array<i64: 2, 16>, scalar_prefetch = 0 : i64, scratch_operands = 2 : i64, tpu.core_type = #tpu.core_type<sc_vector_subcore>, window_params = [{transform_indices = #map}, {transform_indices = #map1}, {transform_indices = #map}]} {
    %mul3A = arith.constant 16 : i32
    %mul3A_0 = arith.muli %arg0, %mul3A : i32
    %add3A = arith.addi %mul3A_0, %arg1 : i32
    %scan3A = arith.constant 0 : i32
    %scan3A_1 = arith.constant 0 : i32
    %scan3A_2 = arith.constant 40 : i32
    %scan3A_3 = arith.addi %scan3A_1, %scan3A_2 : i32
    %scan3A_4 = arith.constant 1 : i32
    scf.for %scan3A_6 = %scan3A_1 to %scan3A_3 step %scan3A_4  : i32 {
      %mul3A_7 = arith.constant 5120 : i32
      %mul3A_8 = arith.muli %add3A, %mul3A_7 : i32
      %mul3A_9 = arith.constant 128 : i32
      %mul3A_10 = arith.muli %scan3A_6, %mul3A_9 : i32
      %add3A_11 = arith.addi %mul3A_8, %mul3A_10 : i32
      "tpu.region"() ({
        %run_scoped3A = tpu.sem_alloc : memref<!tpu.dma_semaphore, #tpu.memory_space<semaphore_mem>>
        %dma_start3A = tpu.memref_slice %arg3[%add3A_11] : memref<163840xi32, #tpu.memory_space<hbm>> -> memref<128xi32, #tpu.memory_space<hbm>>
        %dma_start3A_12 = tpu.memref_slice %arg3[%add3A_11] : memref<163840xi32, #tpu.memory_space<hbm>> -> memref<128xi32, #tpu.memory_space<hbm>>
        tpu.enqueue_dma source(%dma_start3A_12 : memref<128xi32, #tpu.memory_space<hbm>>) target(%arg5 : memref<128xi32, #tpu.memory_space<vmem>>) target_semaphore(%run_scoped3A : memref<!tpu.dma_semaphore, #tpu.memory_space<semaphore_mem>>)
        %dma_wait3A = tpu.memref_slice %arg3[%add3A_11] : memref<163840xi32, #tpu.memory_space<hbm>> -> memref<128xi32, #tpu.memory_space<hbm>>
        %dma_wait3A_13 = tpu.memref_slice %arg3[%add3A_11] : memref<163840xi32, #tpu.memory_space<hbm>> -> memref<128xi32, #tpu.memory_space<hbm>>
        tpu.wait_dma2 semaphore(%run_scoped3A : memref<!tpu.dma_semaphore, #tpu.memory_space<semaphore_mem>>) src(%dma_wait3A_13 : memref<128xi32, #tpu.memory_space<hbm>>) dst(%arg5 : memref<128xi32, #tpu.memory_space<vmem>>)
        tpu.yield
      }) : () -> ()
      "tpu.region"() ({
        %run_scoped3A = tpu.sem_alloc : memref<!tpu.dma_semaphore, #tpu.memory_space<semaphore_mem>>
        %dma_start3A = arith.constant 0 : i32
        %dma_start3A_12 = arith.constant 0 : i32
        %dma_start3A_13 = tpu.memref_slice %arg2[%dma_start3A, %dma_start3A_12] : memref<10016x16xf32, #tpu.memory_space<hbm>> -> memref<10016x16xf32, #tpu.memory_space<hbm>>
        tpu.enqueue_indirect_dma source(%dma_start3A_13 : memref<10016x16xf32, #tpu.memory_space<hbm>>) target(%arg6 : memref<128x16xf32, #tpu.memory_space<vmem>>) offsets(%arg5 : memref<128xi32, #tpu.memory_space<vmem>>) semaphore(%run_scoped3A : memref<!tpu.dma_semaphore, #tpu.memory_space<semaphore_mem>>)
        %dma_wait3A = arith.constant 0 : i32
        %dma_wait3A_14 = arith.constant 0 : i32
        %dma_wait3A_15 = tpu.memref_slice %arg2[%dma_wait3A, %dma_wait3A_14] : memref<10016x16xf32, #tpu.memory_space<hbm>> -> memref<10016x16xf32, #tpu.memory_space<hbm>>
        tpu.wait_indirect_dma semaphore(%run_scoped3A : memref<!tpu.dma_semaphore, #tpu.memory_space<semaphore_mem>>) src(%dma_wait3A_15 : memref<10016x16xf32, #tpu.memory_space<hbm>>) dst(%arg6 : memref<128x16xf32, #tpu.memory_space<vmem>>)
        tpu.yield
      }) : () -> ()
      "tpu.region"() ({
        %run_scoped3A = tpu.sem_alloc : memref<!tpu.dma_semaphore, #tpu.memory_space<semaphore_mem>>
        %dma_start3A = arith.constant 0 : i32
        %dma_start3A_12 = tpu.memref_slice %arg4[%add3A_11, %dma_start3A] : memref<163840x16xf32, #tpu.memory_space<hbm>> -> memref<128x16xf32, #tpu.memory_space<hbm>>
        %dma_start3A_13 = arith.constant 0 : i32
        %dma_start3A_14 = tpu.memref_slice %arg4[%add3A_11, %dma_start3A_13] : memref<163840x16xf32, #tpu.memory_space<hbm>> -> memref<128x16xf32, #tpu.memory_space<hbm>>
        tpu.enqueue_dma source(%arg6 : memref<128x16xf32, #tpu.memory_space<vmem>>) target(%dma_start3A_14 : memref<128x16xf32, #tpu.memory_space<hbm>>) target_semaphore(%run_scoped3A : memref<!tpu.dma_semaphore, #tpu.memory_space<semaphore_mem>>)
        %dma_wait3A = arith.constant 0 : i32
        %dma_wait3A_15 = tpu.memref_slice %arg4[%add3A_11, %dma_wait3A] : memref<163840x16xf32, #tpu.memory_space<hbm>> -> memref<128x16xf32, #tpu.memory_space<hbm>>
        %dma_wait3A_16 = arith.constant 0 : i32
        %dma_wait3A_17 = tpu.memref_slice %arg4[%add3A_11, %dma_wait3A_16] : memref<163840x16xf32, #tpu.memory_space<hbm>> -> memref<128x16xf32, #tpu.memory_space<hbm>>
        tpu.wait_dma2 semaphore(%run_scoped3A : memref<!tpu.dma_semaphore, #tpu.memory_space<semaphore_mem>>) src(%arg6 : memref<128x16xf32, #tpu.memory_space<vmem>>) dst(%dma_wait3A_17 : memref<128x16xf32, #tpu.memory_space<hbm>>)
        tpu.yield
      }) : () -> ()
    }
    %scan3A_5 = arith.constant 40 : i32
    return
  }
}

#map = affine_map<(d0, d1) -> (0, 0)>
#map1 = affine_map<(d0, d1) -> (0)>
#map2 = affine_map<(d0, d1) -> (0, 0, 0)>
module attributes {stable_mosaic.version = 14 : i64} {
  func.func @body(%arg0: i32, %arg1: i32, %arg2: memref<163840x64xf32, #tpu.memory_space<hbm>>, %arg3: memref<163840xi32, #tpu.memory_space<hbm>>, %arg4: memref<10112x64xf32, #tpu.memory_space<hbm>>, %arg5: memref<2x10112x64xf32, #tpu.memory_space<hbm>>, %arg6: memref<128xi32, #tpu.memory_space<vmem>>, %arg7: memref<128x64xf32, #tpu.memory_space<vmem>>, %arg8: memref<10112x64xf32, #tpu.memory_space<vmem_shared>>) attributes {dimension_semantics = [#tpu.dimension_semantics<core_parallel>, #tpu.dimension_semantics<subcore_parallel>], iteration_bounds = array<i64: 2, 16>, scalar_prefetch = 0 : i64, scratch_operands = 3 : i64, tpu.core_type = #tpu.core_type<sc_vector_subcore>, window_params = [{transform_indices = #map}, {transform_indices = #map1}, {transform_indices = #map}, {transform_indices = #map2}]} {
    %mul3A = arith.constant 16 : i32
    %mul3A_0 = arith.muli %arg0, %mul3A : i32
    %add3A = arith.addi %mul3A_0, %arg1 : i32
    %mul3A_1 = arith.constant 632 : i32
    %mul3A_2 = arith.muli %arg1, %mul3A_1 : i32
    %mul3A_3 = arith.constant 632 : i32
    %mul3A_4 = arith.muli %arg1, %mul3A_3 : i32
    "tpu.region"() ({
      %run_scoped3A = tpu.sem_alloc : memref<!tpu.dma_semaphore, #tpu.memory_space<semaphore_mem>>
      %dma_start3A = arith.constant 0 : i32
      %dma_start3A_15 = tpu.memref_slice %arg8[%mul3A_4, %dma_start3A] : memref<10112x64xf32, #tpu.memory_space<vmem_shared>> -> memref<632x64xf32, #tpu.memory_space<vmem_shared>>
      %dma_start3A_16 = arith.constant 0 : i32
      %dma_start3A_17 = tpu.memref_slice %arg4[%mul3A_2, %dma_start3A_16] : memref<10112x64xf32, #tpu.memory_space<hbm>> -> memref<632x64xf32, #tpu.memory_space<hbm>>
      tpu.enqueue_dma source(%dma_start3A_17 : memref<632x64xf32, #tpu.memory_space<hbm>>) target(%dma_start3A_15 : memref<632x64xf32, #tpu.memory_space<vmem_shared>>) target_semaphore(%run_scoped3A : memref<!tpu.dma_semaphore, #tpu.memory_space<semaphore_mem>>)
      %dma_wait3A = arith.constant 0 : i32
      %dma_wait3A_18 = tpu.memref_slice %arg8[%mul3A_4, %dma_wait3A] : memref<10112x64xf32, #tpu.memory_space<vmem_shared>> -> memref<632x64xf32, #tpu.memory_space<vmem_shared>>
      %dma_wait3A_19 = arith.constant 0 : i32
      %dma_wait3A_20 = tpu.memref_slice %arg4[%mul3A_2, %dma_wait3A_19] : memref<10112x64xf32, #tpu.memory_space<hbm>> -> memref<632x64xf32, #tpu.memory_space<hbm>>
      tpu.wait_dma2 semaphore(%run_scoped3A : memref<!tpu.dma_semaphore, #tpu.memory_space<semaphore_mem>>) src(%dma_wait3A_20 : memref<632x64xf32, #tpu.memory_space<hbm>>) dst(%dma_wait3A_18 : memref<632x64xf32, #tpu.memory_space<vmem_shared>>)
      tpu.yield
    }) : () -> ()
    %barrier3A = arith.constant 0 : index
    tpu.barrier barrier_id(%barrier3A)
    %scan3A = arith.constant 0 : i32
    %scan3A_5 = arith.constant 0 : i32
    %scan3A_6 = arith.constant 40 : i32
    %scan3A_7 = arith.addi %scan3A_5, %scan3A_6 : i32
    %scan3A_8 = arith.constant 1 : i32
    scf.for %scan3A_15 = %scan3A_5 to %scan3A_7 step %scan3A_8  : i32 {
      %mul3A_16 = arith.constant 5120 : i32
      %mul3A_17 = arith.muli %add3A, %mul3A_16 : i32
      %mul3A_18 = arith.constant 128 : i32
      %mul3A_19 = arith.muli %scan3A_15, %mul3A_18 : i32
      %add3A_20 = arith.addi %mul3A_17, %mul3A_19 : i32
      "tpu.region"() ({
        %run_scoped3A = tpu.sem_alloc : memref<!tpu.dma_semaphore, #tpu.memory_space<semaphore_mem>>
        %dma_start3A = tpu.memref_slice %arg3[%add3A_20] : memref<163840xi32, #tpu.memory_space<hbm>> -> memref<128xi32, #tpu.memory_space<hbm>>
        %dma_start3A_21 = tpu.memref_slice %arg3[%add3A_20] : memref<163840xi32, #tpu.memory_space<hbm>> -> memref<128xi32, #tpu.memory_space<hbm>>
        tpu.enqueue_dma source(%dma_start3A_21 : memref<128xi32, #tpu.memory_space<hbm>>) target(%arg6 : memref<128xi32, #tpu.memory_space<vmem>>) target_semaphore(%run_scoped3A : memref<!tpu.dma_semaphore, #tpu.memory_space<semaphore_mem>>)
        %dma_wait3A = tpu.memref_slice %arg3[%add3A_20] : memref<163840xi32, #tpu.memory_space<hbm>> -> memref<128xi32, #tpu.memory_space<hbm>>
        %dma_wait3A_22 = tpu.memref_slice %arg3[%add3A_20] : memref<163840xi32, #tpu.memory_space<hbm>> -> memref<128xi32, #tpu.memory_space<hbm>>
        tpu.wait_dma2 semaphore(%run_scoped3A : memref<!tpu.dma_semaphore, #tpu.memory_space<semaphore_mem>>) src(%dma_wait3A_22 : memref<128xi32, #tpu.memory_space<hbm>>) dst(%arg6 : memref<128xi32, #tpu.memory_space<vmem>>)
        tpu.yield
      }) : () -> ()
      "tpu.region"() ({
        %run_scoped3A = tpu.sem_alloc : memref<!tpu.dma_semaphore, #tpu.memory_space<semaphore_mem>>
        %dma_start3A = arith.constant 0 : i32
        %dma_start3A_21 = tpu.memref_slice %arg2[%add3A_20, %dma_start3A] : memref<163840x64xf32, #tpu.memory_space<hbm>> -> memref<128x64xf32, #tpu.memory_space<hbm>>
        %dma_start3A_22 = arith.constant 0 : i32
        %dma_start3A_23 = tpu.memref_slice %arg2[%add3A_20, %dma_start3A_22] : memref<163840x64xf32, #tpu.memory_space<hbm>> -> memref<128x64xf32, #tpu.memory_space<hbm>>
        tpu.enqueue_dma source(%dma_start3A_23 : memref<128x64xf32, #tpu.memory_space<hbm>>) target(%arg7 : memref<128x64xf32, #tpu.memory_space<vmem>>) target_semaphore(%run_scoped3A : memref<!tpu.dma_semaphore, #tpu.memory_space<semaphore_mem>>)
        %dma_wait3A = arith.constant 0 : i32
        %dma_wait3A_24 = tpu.memref_slice %arg2[%add3A_20, %dma_wait3A] : memref<163840x64xf32, #tpu.memory_space<hbm>> -> memref<128x64xf32, #tpu.memory_space<hbm>>
        %dma_wait3A_25 = arith.constant 0 : i32
        %dma_wait3A_26 = tpu.memref_slice %arg2[%add3A_20, %dma_wait3A_25] : memref<163840x64xf32, #tpu.memory_space<hbm>> -> memref<128x64xf32, #tpu.memory_space<hbm>>
        tpu.wait_dma2 semaphore(%run_scoped3A : memref<!tpu.dma_semaphore, #tpu.memory_space<semaphore_mem>>) src(%dma_wait3A_26 : memref<128x64xf32, #tpu.memory_space<hbm>>) dst(%arg7 : memref<128x64xf32, #tpu.memory_space<vmem>>)
        tpu.yield
      }) : () -> ()
      "tpu.region"() ({
        %run_scoped3A = tpu.sem_alloc : memref<!tpu.dma_semaphore, #tpu.memory_space<semaphore_mem>>
        %dma_start3A = arith.constant 0 : i32
        %dma_start3A_21 = arith.constant 0 : i32
        %dma_start3A_22 = tpu.memref_slice %arg8[%dma_start3A, %dma_start3A_21] : memref<10112x64xf32, #tpu.memory_space<vmem_shared>> -> memref<10112x64xf32, #tpu.memory_space<vmem_shared>>
        tpu.enqueue_indirect_dma source(%arg7 : memref<128x64xf32, #tpu.memory_space<vmem>>) target(%dma_start3A_22 : memref<10112x64xf32, #tpu.memory_space<vmem_shared>>) offsets(%arg6 : memref<128xi32, #tpu.memory_space<vmem>>) semaphore(%run_scoped3A : memref<!tpu.dma_semaphore, #tpu.memory_space<semaphore_mem>>) {add = true}
        %dma_wait3A = arith.constant 0 : i32
        %dma_wait3A_23 = arith.constant 0 : i32
        %dma_wait3A_24 = tpu.memref_slice %arg8[%dma_wait3A, %dma_wait3A_23] : memref<10112x64xf32, #tpu.memory_space<vmem_shared>> -> memref<10112x64xf32, #tpu.memory_space<vmem_shared>>
        tpu.wait_indirect_dma semaphore(%run_scoped3A : memref<!tpu.dma_semaphore, #tpu.memory_space<semaphore_mem>>) src(%arg7 : memref<128x64xf32, #tpu.memory_space<vmem>>) dst(%dma_wait3A_24 : memref<10112x64xf32, #tpu.memory_space<vmem_shared>>)
        tpu.yield
      }) : () -> ()
    }
    %scan3A_9 = arith.constant 40 : i32
    %barrier3A_10 = arith.constant 0 : index
    tpu.barrier barrier_id(%barrier3A_10)
    %mul3A_11 = arith.constant 632 : i32
    %mul3A_12 = arith.muli %arg1, %mul3A_11 : i32
    %mul3A_13 = arith.constant 632 : i32
    %mul3A_14 = arith.muli %arg1, %mul3A_13 : i32
    "tpu.region"() ({
      %run_scoped3A = tpu.sem_alloc : memref<!tpu.dma_semaphore, #tpu.memory_space<semaphore_mem>>
      %dma_start3A = arith.constant 0 : i32
      %dma_start3A_15 = tpu.memref_slice %arg5[%arg0, %mul3A_14, %dma_start3A] : memref<2x10112x64xf32, #tpu.memory_space<hbm>> -> memref<1x632x64xf32, #tpu.memory_space<hbm>>
      %dma_start3A_16 = tpu.memref_squeeze %dma_start3A_15 : memref<1x632x64xf32, #tpu.memory_space<hbm>> -> memref<632x64xf32, #tpu.memory_space<hbm>>
      %dma_start3A_17 = arith.constant 0 : i32
      %dma_start3A_18 = tpu.memref_slice %arg8[%mul3A_12, %dma_start3A_17] : memref<10112x64xf32, #tpu.memory_space<vmem_shared>> -> memref<632x64xf32, #tpu.memory_space<vmem_shared>>
      tpu.enqueue_dma source(%dma_start3A_18 : memref<632x64xf32, #tpu.memory_space<vmem_shared>>) target(%dma_start3A_16 : memref<632x64xf32, #tpu.memory_space<hbm>>) target_semaphore(%run_scoped3A : memref<!tpu.dma_semaphore, #tpu.memory_space<semaphore_mem>>)
      %dma_wait3A = arith.constant 0 : i32
      %dma_wait3A_19 = tpu.memref_slice %arg5[%arg0, %mul3A_14, %dma_wait3A] : memref<2x10112x64xf32, #tpu.memory_space<hbm>> -> memref<1x632x64xf32, #tpu.memory_space<hbm>>
      %dma_wait3A_20 = tpu.memref_squeeze %dma_wait3A_19 : memref<1x632x64xf32, #tpu.memory_space<hbm>> -> memref<632x64xf32, #tpu.memory_space<hbm>>
      %dma_wait3A_21 = arith.constant 0 : i32
      %dma_wait3A_22 = tpu.memref_slice %arg8[%mul3A_12, %dma_wait3A_21] : memref<10112x64xf32, #tpu.memory_space<vmem_shared>> -> memref<632x64xf32, #tpu.memory_space<vmem_shared>>
      tpu.wait_dma2 semaphore(%run_scoped3A : memref<!tpu.dma_semaphore, #tpu.memory_space<semaphore_mem>>) src(%dma_wait3A_22 : memref<632x64xf32, #tpu.memory_space<vmem_shared>>) dst(%dma_wait3A_20 : memref<632x64xf32, #tpu.memory_space<hbm>>)
      tpu.yield
    }) : () -> ()
    return
  }
}

module attributes {stable_mosaic.version = 14 : i64} {
  func.func @_encoder_body(%arg0: i32, %arg1: memref<1000x10xf32, #tpu.memory_space<vmem>>, %arg2: memref<10x64xf32, #tpu.memory_space<vmem>>, %arg3: memref<64xf32, #tpu.memory_space<vmem>>, %arg4: memref<64x256xf32, #tpu.memory_space<vmem>>, %arg5: memref<256xf32, #tpu.memory_space<vmem>>, %arg6: memref<64x256xf32, #tpu.memory_space<vmem>>, %arg7: memref<256xf32, #tpu.memory_space<vmem>>, %arg8: memref<1000x256xf32, #tpu.memory_space<vmem>>, %arg9: memref<1000x256xf32, #tpu.memory_space<vmem>>) attributes {dimension_semantics = [#tpu.dimension_semantics<arbitrary>], iteration_bounds = array<i64: 10>, scalar_prefetch = 0 : i64, scratch_operands = 0 : i64, tpu.core_type = #tpu.core_type<tc>, window_params = [{transform_indices = @transform_0, window_bounds = array<i64: 1000, 10>}, {pipeline_mode = #tpu.pipeline_mode<synchronous>, transform_indices = @transform_1, window_bounds = array<i64: 10, 64>}, {pipeline_mode = #tpu.pipeline_mode<synchronous>, transform_indices = @transform_2, window_bounds = array<i64: 64>}, {pipeline_mode = #tpu.pipeline_mode<synchronous>, transform_indices = @transform_3, window_bounds = array<i64: 64, 256>}, {pipeline_mode = #tpu.pipeline_mode<synchronous>, transform_indices = @transform_4, window_bounds = array<i64: 256>}, {pipeline_mode = #tpu.pipeline_mode<synchronous>, transform_indices = @transform_5, window_bounds = array<i64: 64, 256>}, {pipeline_mode = #tpu.pipeline_mode<synchronous>, transform_indices = @transform_6, window_bounds = array<i64: 256>}, {transform_indices = @transform_7, window_bounds = array<i64: 1000, 256>}, {transform_indices = @transform_8, window_bounds = array<i64: 1000, 256>}]} {
    %get3A = arith.constant 0 : index
    %get3A_0 = arith.constant 0 : index
    %get3A_1 = vector.load %arg1[%get3A, %get3A_0] : memref<1000x10xf32, #tpu.memory_space<vmem>>, vector<1000x10xf32>
    %get3A_2 = arith.constant 0 : index
    %get3A_3 = arith.constant 0 : index
    %get3A_4 = vector.load %arg2[%get3A_2, %get3A_3] : memref<10x64xf32, #tpu.memory_space<vmem>>, vector<10x64xf32>
    %dot_general3A = arith.constant dense<0.000000e+00> : vector<1000x64xf32>
    %dot_general3A_5 = tpu.matmul %get3A_1, %get3A_4, %dot_general3A {dimension_numbers = #tpu.dot_dimension_numbers<[1], [0], [0], [1], [0, 0, 1, 1], [], []>, transpose_lhs_hint = false} : vector<1000x10xf32>, vector<10x64xf32>, vector<1000x64xf32> -> vector<1000x64xf32>
    %get3A_6 = arith.constant 0 : index
    %get3A_7 = vector.load %arg3[%get3A_6] : memref<64xf32, #tpu.memory_space<vmem>>, vector<64xf32>
    %broadcast_in_dim3A = vector.shape_cast %get3A_7 : vector<64xf32> to vector<1x64xf32>
    %add3A = vector.broadcast %broadcast_in_dim3A : vector<1x64xf32> to vector<1000x64xf32>
    %add3A_8 = arith.addf %dot_general3A_5, %add3A : vector<1000x64xf32>
    %max3A = arith.constant 0.000000e+00 : f32
    %max3A_9 = vector.broadcast %max3A : f32 to vector<1000x64xf32>
    %max3A_10 = arith.maximumf %add3A_8, %max3A_9 : vector<1000x64xf32>
    %get3A_11 = arith.constant 0 : index
    %get3A_12 = arith.constant 0 : index
    %get3A_13 = vector.load %arg4[%get3A_11, %get3A_12] : memref<64x256xf32, #tpu.memory_space<vmem>>, vector<64x256xf32>
    %dot_general3A_14 = arith.constant dense<0.000000e+00> : vector<1000x256xf32>
    %dot_general3A_15 = tpu.matmul %max3A_10, %get3A_13, %dot_general3A_14 {dimension_numbers = #tpu.dot_dimension_numbers<[1], [0], [0], [1], [0, 0, 1, 1], [], []>, transpose_lhs_hint = false} : vector<1000x64xf32>, vector<64x256xf32>, vector<1000x256xf32> -> vector<1000x256xf32>
    %get3A_16 = arith.constant 0 : index
    %get3A_17 = vector.load %arg5[%get3A_16] : memref<256xf32, #tpu.memory_space<vmem>>, vector<256xf32>
    %broadcast_in_dim3A_18 = vector.shape_cast %get3A_17 : vector<256xf32> to vector<1x256xf32>
    %add3A_19 = vector.broadcast %broadcast_in_dim3A_18 : vector<1x256xf32> to vector<1000x256xf32>
    %add3A_20 = arith.addf %dot_general3A_15, %add3A_19 : vector<1000x256xf32>
    %swap3A = arith.constant 0 : index
    %swap3A_21 = arith.constant 0 : index
    %swap3A_22 = vector.load %arg8[%swap3A, %swap3A_21] : memref<1000x256xf32, #tpu.memory_space<vmem>>, vector<1000x256xf32>
    tpu.vector_store %arg8[%swap3A, %swap3A_21], %add3A_20 {strides = array<i32>} : memref<1000x256xf32, #tpu.memory_space<vmem>>, vector<1000x256xf32>,
    %get3A_23 = arith.constant 0 : index
    %get3A_24 = arith.constant 0 : index
    %get3A_25 = vector.load %arg6[%get3A_23, %get3A_24] : memref<64x256xf32, #tpu.memory_space<vmem>>, vector<64x256xf32>
    %dot_general3A_26 = arith.constant dense<0.000000e+00> : vector<1000x256xf32>
    %dot_general3A_27 = tpu.matmul %max3A_10, %get3A_25, %dot_general3A_26 {dimension_numbers = #tpu.dot_dimension_numbers<[1], [0], [0], [1], [0, 0, 1, 1], [], []>, transpose_lhs_hint = false} : vector<1000x64xf32>, vector<64x256xf32>, vector<1000x256xf32> -> vector<1000x256xf32>
    %get3A_28 = arith.constant 0 : index
    %get3A_29 = vector.load %arg7[%get3A_28] : memref<256xf32, #tpu.memory_space<vmem>>, vector<256xf32>
    %broadcast_in_dim3A_30 = vector.shape_cast %get3A_29 : vector<256xf32> to vector<1x256xf32>
    %add3A_31 = vector.broadcast %broadcast_in_dim3A_30 : vector<1x256xf32> to vector<1000x256xf32>
    %add3A_32 = arith.addf %dot_general3A_27, %add3A_31 : vector<1000x256xf32>
    %swap3A_33 = arith.constant 0 : index
    %swap3A_34 = arith.constant 0 : index
    %swap3A_35 = vector.load %arg9[%swap3A_33, %swap3A_34] : memref<1000x256xf32, #tpu.memory_space<vmem>>, vector<1000x256xf32>
    tpu.vector_store %arg9[%swap3A_33, %swap3A_34], %add3A_32 {strides = array<i32>} : memref<1000x256xf32, #tpu.memory_space<vmem>>, vector<1000x256xf32>,
    return
  }
  func.func @transform_0(%arg0: i32) -> (i32, i32) {
    %c0_i32 = arith.constant 0 : i32
    %c0_i32_0 = arith.constant 0 : i32
    return %arg0, %c0_i32 : i32, i32
  }
  func.func @transform_1(%arg0: i32) -> (i32, i32) {
    %c0_i32 = arith.constant 0 : i32
    %c0_i32_0 = arith.constant 0 : i32
    %c0_i32_1 = arith.constant 0 : i32
    return %c0_i32, %c0_i32_0 : i32, i32
  }
  func.func @transform_2(%arg0: i32) -> i32 {
    %c0_i32 = arith.constant 0 : i32
    %c0_i32_0 = arith.constant 0 : i32
    return %c0_i32 : i32
  }
  func.func @transform_3(%arg0: i32) -> (i32, i32) {
    %c0_i32 = arith.constant 0 : i32
    %c0_i32_0 = arith.constant 0 : i32
    %c0_i32_1 = arith.constant 0 : i32
    return %c0_i32, %c0_i32_0 : i32, i32
  }
  func.func @transform_4(%arg0: i32) -> i32 {
    %c0_i32 = arith.constant 0 : i32
    %c0_i32_0 = arith.constant 0 : i32
    return %c0_i32 : i32
  }
  func.func @transform_5(%arg0: i32) -> (i32, i32) {
    %c0_i32 = arith.constant 0 : i32
    %c0_i32_0 = arith.constant 0 : i32
    %c0_i32_1 = arith.constant 0 : i32
    return %c0_i32, %c0_i32_0 : i32, i32
  }
  func.func @transform_6(%arg0: i32) -> i32 {
    %c0_i32 = arith.constant 0 : i32
    %c0_i32_0 = arith.constant 0 : i32
    return %c0_i32 : i32
  }
  func.func @transform_7(%arg0: i32) -> (i32, i32) {
    %c0_i32 = arith.constant 0 : i32
    %c0_i32_0 = arith.constant 0 : i32
    return %arg0, %c0_i32 : i32, i32
  }
  func.func @transform_8(%arg0: i32) -> (i32, i32) {
    %c0_i32 = arith.constant 0 : i32
    %c0_i32_0 = arith.constant 0 : i32
    return %arg0, %c0_i32 : i32, i32
  }
}

module attributes {stable_mosaic.version = 14 : i64} {
  func.func @_logits_body(%arg0: i32, %arg1: memref<2048x256xf32, #tpu.memory_space<vmem>>, %arg2: memref<2048x256xf32, #tpu.memory_space<vmem>>, %arg3: memref<2048x16xf32, #tpu.memory_space<vmem>>, %arg4: memref<16x256xf32, #tpu.memory_space<vmem>>, %arg5: memref<256x4xf32, #tpu.memory_space<vmem>>, %arg6: memref<4x16xf32, #tpu.memory_space<vmem>>, %arg7: memref<2048x16xf32, #tpu.memory_space<vmem>>) attributes {dimension_semantics = [#tpu.dimension_semantics<arbitrary>], iteration_bounds = array<i64: 80>, scalar_prefetch = 0 : i64, scratch_operands = 0 : i64, tpu.core_type = #tpu.core_type<tc>, window_params = [{transform_indices = @transform_0, window_bounds = array<i64: 2048, 256>}, {transform_indices = @transform_1, window_bounds = array<i64: 2048, 256>}, {transform_indices = @transform_2, window_bounds = array<i64: 2048, 16>}, {pipeline_mode = #tpu.pipeline_mode<synchronous>, transform_indices = @transform_3, window_bounds = array<i64: 16, 256>}, {pipeline_mode = #tpu.pipeline_mode<synchronous>, transform_indices = @transform_4, window_bounds = array<i64: 256, 4>}, {pipeline_mode = #tpu.pipeline_mode<synchronous>, transform_indices = @transform_5, window_bounds = array<i64: 4, 16>}, {transform_indices = @transform_6, window_bounds = array<i64: 2048, 16>}]} {
    %get3A = arith.constant 0 : index
    %get3A_0 = arith.constant 0 : index
    %get3A_1 = vector.load %arg1[%get3A, %get3A_0] : memref<2048x256xf32, #tpu.memory_space<vmem>>, vector<2048x256xf32>
    %get3A_2 = arith.constant 0 : index
    %get3A_3 = arith.constant 0 : index
    %get3A_4 = vector.load %arg2[%get3A_2, %get3A_3] : memref<2048x256xf32, #tpu.memory_space<vmem>>, vector<2048x256xf32>
    %add3A = arith.addf %get3A_1, %get3A_4 : vector<2048x256xf32>
    %get3A_5 = arith.constant 0 : index
    %get3A_6 = arith.constant 0 : index
    %get3A_7 = vector.load %arg3[%get3A_5, %get3A_6] : memref<2048x16xf32, #tpu.memory_space<vmem>>, vector<2048x16xf32>
    %get3A_8 = arith.constant 0 : index
    %get3A_9 = arith.constant 0 : index
    %get3A_10 = vector.load %arg4[%get3A_8, %get3A_9] : memref<16x256xf32, #tpu.memory_space<vmem>>, vector<16x256xf32>
    %dot_general3A = arith.constant dense<0.000000e+00> : vector<2048x256xf32>
    %dot_general3A_11 = tpu.matmul %get3A_7, %get3A_10, %dot_general3A {dimension_numbers = #tpu.dot_dimension_numbers<[1], [0], [0], [1], [0, 0, 1, 1], [], []>, transpose_lhs_hint = false} : vector<2048x16xf32>, vector<16x256xf32>, vector<2048x256xf32> -> vector<2048x256xf32>
    %add3A_12 = arith.addf %add3A, %dot_general3A_11 : vector<2048x256xf32>
    %ge3A = arith.constant 0.000000e+00 : f32
    %ge3A_13 = vector.broadcast %ge3A : f32 to vector<2048x256xf32>
    %ge3A_14 = arith.cmpf oge, %add3A_12, %ge3A_13 : vector<2048x256xf32>
    %mul3A = arith.constant 2.000000e-01 : f32
    %mul3A_15 = vector.broadcast %mul3A : f32 to vector<2048x256xf32>
    %mul3A_16 = arith.mulf %mul3A_15, %add3A_12 : vector<2048x256xf32>
    %select_n3A = arith.select %ge3A_14, %add3A_12, %mul3A_16 : vector<2048x256xi1>, vector<2048x256xf32>
    %get3A_17 = arith.constant 0 : index
    %get3A_18 = arith.constant 0 : index
    %get3A_19 = vector.load %arg5[%get3A_17, %get3A_18] : memref<256x4xf32, #tpu.memory_space<vmem>>, vector<256x4xf32>
    %dot_general3A_20 = arith.constant dense<0.000000e+00> : vector<2048x4xf32>
    %dot_general3A_21 = tpu.matmul %select_n3A, %get3A_19, %dot_general3A_20 {dimension_numbers = #tpu.dot_dimension_numbers<[1], [0], [0], [1], [0, 0, 1, 1], [], []>, precision = #tpu.contract_precision<fp32>, transpose_lhs_hint = false} : vector<2048x256xf32>, vector<256x4xf32>, vector<2048x4xf32> -> vector<2048x4xf32>
    %exp3A = math.exp %dot_general3A_21 : vector<2048x4xf32>
    %get3A_22 = arith.constant 0 : index
    %get3A_23 = arith.constant 0 : index
    %get3A_24 = vector.load %arg6[%get3A_22, %get3A_23] : memref<4x16xf32, #tpu.memory_space<vmem>>, vector<4x16xf32>
    %dot_general3A_25 = arith.constant dense<0.000000e+00> : vector<2048x16xf32>
    %dot_general3A_26 = tpu.matmul %exp3A, %get3A_24, %dot_general3A_25 {dimension_numbers = #tpu.dot_dimension_numbers<[1], [0], [0], [1], [0, 0, 1, 1], [], []>, precision = #tpu.contract_precision<fp32>, transpose_lhs_hint = false} : vector<2048x4xf32>, vector<4x16xf32>, vector<2048x16xf32> -> vector<2048x16xf32>
    %swap3A = arith.constant 0 : index
    %swap3A_27 = arith.constant 0 : index
    %swap3A_28 = vector.load %arg7[%swap3A, %swap3A_27] : memref<2048x16xf32, #tpu.memory_space<vmem>>, vector<2048x16xf32>
    tpu.vector_store %arg7[%swap3A, %swap3A_27], %dot_general3A_26 {strides = array<i32>} : memref<2048x16xf32, #tpu.memory_space<vmem>>, vector<2048x16xf32>,
    return
  }
  func.func @transform_0(%arg0: i32) -> (i32, i32) {
    %c0_i32 = arith.constant 0 : i32
    %c0_i32_0 = arith.constant 0 : i32
    return %arg0, %c0_i32 : i32, i32
  }
  func.func @transform_1(%arg0: i32) -> (i32, i32) {
    %c0_i32 = arith.constant 0 : i32
    %c0_i32_0 = arith.constant 0 : i32
    return %arg0, %c0_i32 : i32, i32
  }
  func.func @transform_2(%arg0: i32) -> (i32, i32) {
    %c0_i32 = arith.constant 0 : i32
    %c0_i32_0 = arith.constant 0 : i32
    return %arg0, %c0_i32 : i32, i32
  }
  func.func @transform_3(%arg0: i32) -> (i32, i32) {
    %c0_i32 = arith.constant 0 : i32
    %c0_i32_0 = arith.constant 0 : i32
    %c0_i32_1 = arith.constant 0 : i32
    return %c0_i32, %c0_i32_0 : i32, i32
  }
  func.func @transform_4(%arg0: i32) -> (i32, i32) {
    %c0_i32 = arith.constant 0 : i32
    %c0_i32_0 = arith.constant 0 : i32
    %c0_i32_1 = arith.constant 0 : i32
    return %c0_i32, %c0_i32_0 : i32, i32
  }
  func.func @transform_5(%arg0: i32) -> (i32, i32) {
    %c0_i32 = arith.constant 0 : i32
    %c0_i32_0 = arith.constant 0 : i32
    %c0_i32_1 = arith.constant 0 : i32
    return %c0_i32, %c0_i32_0 : i32, i32
  }
  func.func @transform_6(%arg0: i32) -> (i32, i32) {
    %c0_i32 = arith.constant 0 : i32
    %c0_i32_0 = arith.constant 0 : i32
    return %arg0, %c0_i32 : i32, i32
  }
}

module attributes {stable_mosaic.version = 14 : i64} {
  func.func @_mid_body(%arg0: i32, %arg1: memref<1000x256xf32, #tpu.memory_space<vmem>>, %arg2: memref<1000x256xf32, #tpu.memory_space<vmem>>, %arg3: memref<1000x16xf32, #tpu.memory_space<vmem>>, %arg4: memref<1000x16xf32, #tpu.memory_space<vmem>>, %arg5: memref<1000x16xf32, #tpu.memory_space<vmem>>, %arg6: memref<1000x16xf32, #tpu.memory_space<vmem>>, %arg7: memref<16x256xf32, #tpu.memory_space<vmem>>, %arg8: memref<256x4xf32, #tpu.memory_space<vmem>>, %arg9: memref<4x16xf32, #tpu.memory_space<vmem>>, %arg10: memref<1000x16xf32, #tpu.memory_space<vmem>>, %arg11: memref<1000x64xf32, #tpu.memory_space<vmem>>) attributes {dimension_semantics = [#tpu.dimension_semantics<arbitrary>], iteration_bounds = array<i64: 10>, scalar_prefetch = 0 : i64, scratch_operands = 0 : i64, tpu.core_type = #tpu.core_type<tc>, window_params = [{transform_indices = @transform_0, window_bounds = array<i64: 1000, 256>}, {transform_indices = @transform_1, window_bounds = array<i64: 1000, 256>}, {transform_indices = @transform_2, window_bounds = array<i64: 1000, 16>}, {transform_indices = @transform_3, window_bounds = array<i64: 1000, 16>}, {transform_indices = @transform_4, window_bounds = array<i64: 1000, 16>}, {transform_indices = @transform_5, window_bounds = array<i64: 1000, 16>}, {pipeline_mode = #tpu.pipeline_mode<synchronous>, transform_indices = @transform_6, window_bounds = array<i64: 16, 256>}, {pipeline_mode = #tpu.pipeline_mode<synchronous>, transform_indices = @transform_7, window_bounds = array<i64: 256, 4>}, {pipeline_mode = #tpu.pipeline_mode<synchronous>, transform_indices = @transform_8, window_bounds = array<i64: 4, 16>}, {transform_indices = @transform_9, window_bounds = array<i64: 1000, 16>}, {transform_indices = @transform_10, window_bounds = array<i64: 1000, 64>}]} {
    %get3A = arith.constant 0 : index
    %get3A_0 = arith.constant 0 : index
    %get3A_1 = vector.load %arg1[%get3A, %get3A_0] : memref<1000x256xf32, #tpu.memory_space<vmem>>, vector<1000x256xf32>
    %get3A_2 = arith.constant 0 : index
    %get3A_3 = arith.constant 0 : index
    %get3A_4 = vector.load %arg3[%get3A_2, %get3A_3] : memref<1000x16xf32, #tpu.memory_space<vmem>>, vector<1000x16xf32>
    %get3A_5 = arith.constant 0 : index
    %get3A_6 = arith.constant 0 : index
    %get3A_7 = vector.load %arg4[%get3A_5, %get3A_6] : memref<1000x16xf32, #tpu.memory_space<vmem>>, vector<1000x16xf32>
    %add3A = arith.addf %get3A_4, %get3A_7 : vector<1000x16xf32>
    %slice3A = vector.extract_strided_slice %add3A {offsets = [0, 11], sizes = [1000, 1], strides = [1, 1]} : vector<1000x16xf32> to vector<1000x1xf32>
    %max3A = arith.constant 1.000000e+00 : f32
    %max3A_8 = vector.broadcast %max3A : f32 to vector<1000x1xf32>
    %max3A_9 = arith.maximumf %slice3A, %max3A_8 : vector<1000x1xf32>
    %div3A = vector.broadcast %max3A_9 : vector<1000x1xf32> to vector<1000x16xf32>
    %div3A_10 = arith.divf %add3A, %div3A : vector<1000x16xf32>
    %get3A_11 = arith.constant 0 : index
    %get3A_12 = arith.constant 0 : index
    %get3A_13 = vector.load %arg7[%get3A_11, %get3A_12] : memref<16x256xf32, #tpu.memory_space<vmem>>, vector<16x256xf32>
    %dot_general3A = arith.constant dense<0.000000e+00> : vector<1000x256xf32>
    %dot_general3A_14 = tpu.matmul %div3A_10, %get3A_13, %dot_general3A {dimension_numbers = #tpu.dot_dimension_numbers<[1], [0], [0], [1], [0, 0, 1, 1], [], []>, transpose_lhs_hint = false} : vector<1000x16xf32>, vector<16x256xf32>, vector<1000x256xf32> -> vector<1000x256xf32>
    %get3A_15 = arith.constant 0 : index
    %get3A_16 = arith.constant 0 : index
    %get3A_17 = vector.load %arg2[%get3A_15, %get3A_16] : memref<1000x256xf32, #tpu.memory_space<vmem>>, vector<1000x256xf32>
    %add3A_18 = arith.addf %get3A_1, %get3A_17 : vector<1000x256xf32>
    %add3A_19 = arith.addf %add3A_18, %dot_general3A_14 : vector<1000x256xf32>
    %ge3A = arith.constant 0.000000e+00 : f32
    %ge3A_20 = vector.broadcast %ge3A : f32 to vector<1000x256xf32>
    %ge3A_21 = arith.cmpf oge, %add3A_19, %ge3A_20 : vector<1000x256xf32>
    %mul3A = arith.constant 2.000000e-01 : f32
    %mul3A_22 = vector.broadcast %mul3A : f32 to vector<1000x256xf32>
    %mul3A_23 = arith.mulf %mul3A_22, %add3A_19 : vector<1000x256xf32>
    %select_n3A = arith.select %ge3A_21, %add3A_19, %mul3A_23 : vector<1000x256xi1>, vector<1000x256xf32>
    %get3A_24 = arith.constant 0 : index
    %get3A_25 = arith.constant 0 : index
    %get3A_26 = vector.load %arg8[%get3A_24, %get3A_25] : memref<256x4xf32, #tpu.memory_space<vmem>>, vector<256x4xf32>
    %dot_general3A_27 = arith.constant dense<0.000000e+00> : vector<1000x4xf32>
    %dot_general3A_28 = tpu.matmul %select_n3A, %get3A_26, %dot_general3A_27 {dimension_numbers = #tpu.dot_dimension_numbers<[1], [0], [0], [1], [0, 0, 1, 1], [], []>, precision = #tpu.contract_precision<fp32>, transpose_lhs_hint = false} : vector<1000x256xf32>, vector<256x4xf32>, vector<1000x4xf32> -> vector<1000x4xf32>
    %exp3A = math.exp %dot_general3A_28 : vector<1000x4xf32>
    %get3A_29 = arith.constant 0 : index
    %get3A_30 = arith.constant 0 : index
    %get3A_31 = vector.load %arg5[%get3A_29, %get3A_30] : memref<1000x16xf32, #tpu.memory_space<vmem>>, vector<1000x16xf32>
    %get3A_32 = arith.constant 0 : index
    %get3A_33 = arith.constant 0 : index
    %get3A_34 = vector.load %arg6[%get3A_32, %get3A_33] : memref<1000x16xf32, #tpu.memory_space<vmem>>, vector<1000x16xf32>
    %add3A_35 = arith.addf %get3A_31, %get3A_34 : vector<1000x16xf32>
    %slice3A_36 = vector.extract_strided_slice %add3A_35 {offsets = [0, 0], sizes = [1000, 4], strides = [1, 1]} : vector<1000x16xf32> to vector<1000x4xf32>
    %add3A_37 = arith.addf %slice3A_36, %exp3A : vector<1000x4xf32>
    %div3A_38 = arith.constant 1.000000e+00 : f32
    %div3A_39 = vector.broadcast %div3A_38 : f32 to vector<1000x4xf32>
    %div3A_40 = arith.divf %div3A_39, %add3A_37 : vector<1000x4xf32>
    %get3A_41 = arith.constant 0 : index
    %get3A_42 = arith.constant 0 : index
    %get3A_43 = vector.load %arg9[%get3A_41, %get3A_42] : memref<4x16xf32, #tpu.memory_space<vmem>>, vector<4x16xf32>
    %dot_general3A_44 = arith.constant dense<0.000000e+00> : vector<1000x16xf32>
    %dot_general3A_45 = tpu.matmul %div3A_40, %get3A_43, %dot_general3A_44 {dimension_numbers = #tpu.dot_dimension_numbers<[1], [0], [0], [1], [0, 0, 1, 1], [], []>, precision = #tpu.contract_precision<fp32>, transpose_lhs_hint = false} : vector<1000x4xf32>, vector<4x16xf32>, vector<1000x16xf32> -> vector<1000x16xf32>
    %swap3A = arith.constant 0 : index
    %swap3A_46 = arith.constant 0 : index
    %swap3A_47 = vector.load %arg10[%swap3A, %swap3A_46] : memref<1000x16xf32, #tpu.memory_space<vmem>>, vector<1000x16xf32>
    tpu.vector_store %arg10[%swap3A, %swap3A_46], %dot_general3A_45 {strides = array<i32>} : memref<1000x16xf32, #tpu.memory_space<vmem>>, vector<1000x16xf32>,
    %mul3A_48 = arith.mulf %exp3A, %div3A_40 : vector<1000x4xf32>
    %slice3A_49 = vector.extract_strided_slice %mul3A_48 {offsets = [0, 0], sizes = [1000, 1], strides = [1, 1]} : vector<1000x4xf32> to vector<1000x1xf32>
    %slice3A_50 = vector.extract_strided_slice %get3A_1 {offsets = [0, 0], sizes = [1000, 64], strides = [1, 1]} : vector<1000x256xf32> to vector<1000x64xf32>
    %mul3A_51 = vector.broadcast %slice3A_49 : vector<1000x1xf32> to vector<1000x64xf32>
    %mul3A_52 = arith.mulf %mul3A_51, %slice3A_50 : vector<1000x64xf32>
    %slice3A_53 = vector.extract_strided_slice %mul3A_48 {offsets = [0, 1], sizes = [1000, 1], strides = [1, 1]} : vector<1000x4xf32> to vector<1000x1xf32>
    %slice3A_54 = vector.extract_strided_slice %get3A_1 {offsets = [0, 64], sizes = [1000, 64], strides = [1, 1]} : vector<1000x256xf32> to vector<1000x64xf32>
    %mul3A_55 = vector.broadcast %slice3A_53 : vector<1000x1xf32> to vector<1000x64xf32>
    %mul3A_56 = arith.mulf %mul3A_55, %slice3A_54 : vector<1000x64xf32>
    %add3A_57 = arith.addf %mul3A_52, %mul3A_56 : vector<1000x64xf32>
    %slice3A_58 = vector.extract_strided_slice %mul3A_48 {offsets = [0, 2], sizes = [1000, 1], strides = [1, 1]} : vector<1000x4xf32> to vector<1000x1xf32>
    %slice3A_59 = vector.extract_strided_slice %get3A_1 {offsets = [0, 128], sizes = [1000, 64], strides = [1, 1]} : vector<1000x256xf32> to vector<1000x64xf32>
    %mul3A_60 = vector.broadcast %slice3A_58 : vector<1000x1xf32> to vector<1000x64xf32>
    %mul3A_61 = arith.mulf %mul3A_60, %slice3A_59 : vector<1000x64xf32>
    %add3A_62 = arith.addf %add3A_57, %mul3A_61 : vector<1000x64xf32>
    %slice3A_63 = vector.extract_strided_slice %mul3A_48 {offsets = [0, 3], sizes = [1000, 1], strides = [1, 1]} : vector<1000x4xf32> to vector<1000x1xf32>
    %slice3A_64 = vector.extract_strided_slice %get3A_1 {offsets = [0, 192], sizes = [1000, 64], strides = [1, 1]} : vector<1000x256xf32> to vector<1000x64xf32>
    %mul3A_65 = vector.broadcast %slice3A_63 : vector<1000x1xf32> to vector<1000x64xf32>
    %mul3A_66 = arith.mulf %mul3A_65, %slice3A_64 : vector<1000x64xf32>
    %add3A_67 = arith.addf %add3A_62, %mul3A_66 : vector<1000x64xf32>
    %swap3A_68 = arith.constant 0 : index
    %swap3A_69 = arith.constant 0 : index
    %swap3A_70 = vector.load %arg11[%swap3A_68, %swap3A_69] : memref<1000x64xf32, #tpu.memory_space<vmem>>, vector<1000x64xf32>
    tpu.vector_store %arg11[%swap3A_68, %swap3A_69], %add3A_67 {strides = array<i32>} : memref<1000x64xf32, #tpu.memory_space<vmem>>, vector<1000x64xf32>,
    return
  }
  func.func @transform_0(%arg0: i32) -> (i32, i32) {
    %c0_i32 = arith.constant 0 : i32
    %c0_i32_0 = arith.constant 0 : i32
    return %arg0, %c0_i32 : i32, i32
  }
  func.func @transform_1(%arg0: i32) -> (i32, i32) {
    %c0_i32 = arith.constant 0 : i32
    %c0_i32_0 = arith.constant 0 : i32
    return %arg0, %c0_i32 : i32, i32
  }
  func.func @transform_2(%arg0: i32) -> (i32, i32) {
    %c0_i32 = arith.constant 0 : i32
    %c0_i32_0 = arith.constant 0 : i32
    return %arg0, %c0_i32 : i32, i32
  }
  func.func @transform_3(%arg0: i32) -> (i32, i32) {
    %c0_i32 = arith.constant 0 : i32
    %c0_i32_0 = arith.constant 0 : i32
    return %arg0, %c0_i32 : i32, i32
  }
  func.func @transform_4(%arg0: i32) -> (i32, i32) {
    %c0_i32 = arith.constant 0 : i32
    %c0_i32_0 = arith.constant 0 : i32
    return %arg0, %c0_i32 : i32, i32
  }
  func.func @transform_5(%arg0: i32) -> (i32, i32) {
    %c0_i32 = arith.constant 0 : i32
    %c0_i32_0 = arith.constant 0 : i32
    return %arg0, %c0_i32 : i32, i32
  }
  func.func @transform_6(%arg0: i32) -> (i32, i32) {
    %c0_i32 = arith.constant 0 : i32
    %c0_i32_0 = arith.constant 0 : i32
    %c0_i32_1 = arith.constant 0 : i32
    return %c0_i32, %c0_i32_0 : i32, i32
  }
  func.func @transform_7(%arg0: i32) -> (i32, i32) {
    %c0_i32 = arith.constant 0 : i32
    %c0_i32_0 = arith.constant 0 : i32
    %c0_i32_1 = arith.constant 0 : i32
    return %c0_i32, %c0_i32_0 : i32, i32
  }
  func.func @transform_8(%arg0: i32) -> (i32, i32) {
    %c0_i32 = arith.constant 0 : i32
    %c0_i32_0 = arith.constant 0 : i32
    %c0_i32_1 = arith.constant 0 : i32
    return %c0_i32, %c0_i32_0 : i32, i32
  }
  func.func @transform_9(%arg0: i32) -> (i32, i32) {
    %c0_i32 = arith.constant 0 : i32
    %c0_i32_0 = arith.constant 0 : i32
    return %arg0, %c0_i32 : i32, i32
  }
  func.func @transform_10(%arg0: i32) -> (i32, i32) {
    %c0_i32 = arith.constant 0 : i32
    %c0_i32_0 = arith.constant 0 : i32
    return %arg0, %c0_i32 : i32, i32
  }
}

module attributes {stable_mosaic.version = 14 : i64} {
  func.func @_msg_body(%arg0: i32, %arg1: memref<2048x256xf32, #tpu.memory_space<vmem>>, %arg2: memref<2048x16xf32, #tpu.memory_space<vmem>>, %arg3: memref<2048x16xf32, #tpu.memory_space<vmem>>, %arg4: memref<2048x64xf32, #tpu.memory_space<vmem>>) attributes {dimension_semantics = [#tpu.dimension_semantics<arbitrary>], iteration_bounds = array<i64: 80>, scalar_prefetch = 0 : i64, scratch_operands = 0 : i64, tpu.core_type = #tpu.core_type<tc>, window_params = [{transform_indices = @transform_0, window_bounds = array<i64: 2048, 256>}, {transform_indices = @transform_1, window_bounds = array<i64: 2048, 16>}, {transform_indices = @transform_2, window_bounds = array<i64: 2048, 16>}, {transform_indices = @transform_3, window_bounds = array<i64: 2048, 64>}]} {
    %get3A = arith.constant 0 : index
    %get3A_0 = arith.constant 0 : index
    %get3A_1 = vector.load %arg1[%get3A, %get3A_0] : memref<2048x256xf32, #tpu.memory_space<vmem>>, vector<2048x256xf32>
    %get3A_2 = arith.constant 0 : index
    %get3A_3 = arith.constant 0 : index
    %get3A_4 = vector.load %arg2[%get3A_2, %get3A_3] : memref<2048x16xf32, #tpu.memory_space<vmem>>, vector<2048x16xf32>
    %get3A_5 = arith.constant 0 : index
    %get3A_6 = arith.constant 0 : index
    %get3A_7 = vector.load %arg3[%get3A_5, %get3A_6] : memref<2048x16xf32, #tpu.memory_space<vmem>>, vector<2048x16xf32>
    %mul3A = arith.mulf %get3A_4, %get3A_7 : vector<2048x16xf32>
    %slice3A = vector.extract_strided_slice %mul3A {offsets = [0, 0], sizes = [2048, 1], strides = [1, 1]} : vector<2048x16xf32> to vector<2048x1xf32>
    %slice3A_8 = vector.extract_strided_slice %get3A_1 {offsets = [0, 0], sizes = [2048, 64], strides = [1, 1]} : vector<2048x256xf32> to vector<2048x64xf32>
    %mul3A_9 = vector.broadcast %slice3A : vector<2048x1xf32> to vector<2048x64xf32>
    %mul3A_10 = arith.mulf %mul3A_9, %slice3A_8 : vector<2048x64xf32>
    %slice3A_11 = vector.extract_strided_slice %mul3A {offsets = [0, 1], sizes = [2048, 1], strides = [1, 1]} : vector<2048x16xf32> to vector<2048x1xf32>
    %slice3A_12 = vector.extract_strided_slice %get3A_1 {offsets = [0, 64], sizes = [2048, 64], strides = [1, 1]} : vector<2048x256xf32> to vector<2048x64xf32>
    %mul3A_13 = vector.broadcast %slice3A_11 : vector<2048x1xf32> to vector<2048x64xf32>
    %mul3A_14 = arith.mulf %mul3A_13, %slice3A_12 : vector<2048x64xf32>
    %add3A = arith.addf %mul3A_10, %mul3A_14 : vector<2048x64xf32>
    %slice3A_15 = vector.extract_strided_slice %mul3A {offsets = [0, 2], sizes = [2048, 1], strides = [1, 1]} : vector<2048x16xf32> to vector<2048x1xf32>
    %slice3A_16 = vector.extract_strided_slice %get3A_1 {offsets = [0, 128], sizes = [2048, 64], strides = [1, 1]} : vector<2048x256xf32> to vector<2048x64xf32>
    %mul3A_17 = vector.broadcast %slice3A_15 : vector<2048x1xf32> to vector<2048x64xf32>
    %mul3A_18 = arith.mulf %mul3A_17, %slice3A_16 : vector<2048x64xf32>
    %add3A_19 = arith.addf %add3A, %mul3A_18 : vector<2048x64xf32>
    %slice3A_20 = vector.extract_strided_slice %mul3A {offsets = [0, 3], sizes = [2048, 1], strides = [1, 1]} : vector<2048x16xf32> to vector<2048x1xf32>
    %slice3A_21 = vector.extract_strided_slice %get3A_1 {offsets = [0, 192], sizes = [2048, 64], strides = [1, 1]} : vector<2048x256xf32> to vector<2048x64xf32>
    %mul3A_22 = vector.broadcast %slice3A_20 : vector<2048x1xf32> to vector<2048x64xf32>
    %mul3A_23 = arith.mulf %mul3A_22, %slice3A_21 : vector<2048x64xf32>
    %add3A_24 = arith.addf %add3A_19, %mul3A_23 : vector<2048x64xf32>
    %swap3A = arith.constant 0 : index
    %swap3A_25 = arith.constant 0 : index
    %swap3A_26 = vector.load %arg4[%swap3A, %swap3A_25] : memref<2048x64xf32, #tpu.memory_space<vmem>>, vector<2048x64xf32>
    tpu.vector_store %arg4[%swap3A, %swap3A_25], %add3A_24 {strides = array<i32>} : memref<2048x64xf32, #tpu.memory_space<vmem>>, vector<2048x64xf32>,
    return
  }
  func.func @transform_0(%arg0: i32) -> (i32, i32) {
    %c0_i32 = arith.constant 0 : i32
    %c0_i32_0 = arith.constant 0 : i32
    return %arg0, %c0_i32 : i32, i32
  }
  func.func @transform_1(%arg0: i32) -> (i32, i32) {
    %c0_i32 = arith.constant 0 : i32
    %c0_i32_0 = arith.constant 0 : i32
    return %arg0, %c0_i32 : i32, i32
  }
  func.func @transform_2(%arg0: i32) -> (i32, i32) {
    %c0_i32 = arith.constant 0 : i32
    %c0_i32_0 = arith.constant 0 : i32
    return %arg0, %c0_i32 : i32, i32
  }
  func.func @transform_3(%arg0: i32) -> (i32, i32) {
    %c0_i32 = arith.constant 0 : i32
    %c0_i32_0 = arith.constant 0 : i32
    return %arg0, %c0_i32 : i32, i32
  }
}

module attributes {stable_mosaic.version = 14 : i64} {
  func.func @_final_body(%arg0: i32, %arg1: memref<1000x64xf32, #tpu.memory_space<vmem>>, %arg2: memref<1000x64xf32, #tpu.memory_space<vmem>>, %arg3: memref<1000x64xf32, #tpu.memory_space<vmem>>, %arg4: memref<1x64xf32, #tpu.memory_space<vmem>>, %arg5: memref<1x64xf32, #tpu.memory_space<vmem>>) attributes {dimension_semantics = [#tpu.dimension_semantics<arbitrary>], iteration_bounds = array<i64: 10>, scalar_prefetch = 0 : i64, scratch_operands = 0 : i64, tpu.core_type = #tpu.core_type<tc>, window_params = [{transform_indices = @transform_0, window_bounds = array<i64: 1000, 64>}, {transform_indices = @transform_1, window_bounds = array<i64: 1000, 64>}, {transform_indices = @transform_2, window_bounds = array<i64: 1000, 64>}, {pipeline_mode = #tpu.pipeline_mode<synchronous>, transform_indices = @transform_3, window_bounds = array<i64: 1, 64>}, {pipeline_mode = #tpu.pipeline_mode<synchronous>, transform_indices = @transform_4, window_bounds = array<i64: 1, 64>}]} {
    %get3A = arith.constant 0 : index
    %get3A_0 = arith.constant 0 : index
    %get3A_1 = vector.load %arg1[%get3A, %get3A_0] : memref<1000x64xf32, #tpu.memory_space<vmem>>, vector<1000x64xf32>
    %get3A_2 = arith.constant 0 : index
    %get3A_3 = arith.constant 0 : index
    %get3A_4 = vector.load %arg2[%get3A_2, %get3A_3] : memref<1000x64xf32, #tpu.memory_space<vmem>>, vector<1000x64xf32>
    %add3A = arith.addf %get3A_1, %get3A_4 : vector<1000x64xf32>
    %get3A_5 = arith.constant 0 : index
    %get3A_6 = arith.constant 0 : index
    %get3A_7 = vector.load %arg3[%get3A_5, %get3A_6] : memref<1000x64xf32, #tpu.memory_space<vmem>>, vector<1000x64xf32>
    %add3A_8 = arith.addf %add3A, %get3A_7 : vector<1000x64xf32>
    %mul3A = arith.constant 2.500000e-01 : f32
    %mul3A_9 = vector.broadcast %mul3A : f32 to vector<1000x64xf32>
    %mul3A_10 = arith.mulf %add3A_8, %mul3A_9 : vector<1000x64xf32>
    %get3A_11 = arith.constant 0 : index
    %get3A_12 = arith.constant 0 : index
    %get3A_13 = vector.load %arg4[%get3A_11, %get3A_12] : memref<1x64xf32, #tpu.memory_space<vmem>>, vector<1x64xf32>
    %add3A_14 = vector.broadcast %get3A_13 : vector<1x64xf32> to vector<1000x64xf32>
    %add3A_15 = arith.addf %mul3A_10, %add3A_14 : vector<1000x64xf32>
    %max3A = arith.constant 0.000000e+00 : f32
    %max3A_16 = vector.broadcast %max3A : f32 to vector<1000x64xf32>
    %max3A_17 = arith.maximumf %add3A_15, %max3A_16 : vector<1000x64xf32>
    %reduce_sum3A = arith.constant dense<0.000000e+00> : vector<64xf32>
    %reduce_sum3A_18 = vector.multi_reduction <add>, %max3A_17, %reduce_sum3A [0] : vector<1000x64xf32> to vector<64xf32>
    %broadcast_in_dim3A = vector.shape_cast %reduce_sum3A_18 : vector<64xf32> to vector<1x64xf32>
    %eq3A = arith.constant 0 : i32
    %eq3A_19 = arith.cmpi eq, %arg0, %eq3A : i32
    %convert_element_type3A = arith.extui %eq3A_19 : i1 to i32
    %cond3A = arith.constant 0 : i32
    %cond3A_20 = arith.cmpi ne, %convert_element_type3A, %cond3A : i32
    scf.if %cond3A_20 {
      %swap3A = arith.constant 0 : index
      %swap3A_25 = arith.constant 0 : index
      %swap3A_26 = vector.load %arg5[%swap3A, %swap3A_25] : memref<1x64xf32, #tpu.memory_space<vmem>>, vector<1x64xf32>
      tpu.vector_store %arg5[%swap3A, %swap3A_25], %broadcast_in_dim3A {strides = array<i32>} : memref<1x64xf32, #tpu.memory_space<vmem>>, vector<1x64xf32>,
    } else {
    }
    %gt3A = arith.constant 0 : i32
    %gt3A_21 = arith.cmpi sgt, %arg0, %gt3A : i32
    %convert_element_type3A_22 = arith.extui %gt3A_21 : i1 to i32
    %cond3A_23 = arith.constant 0 : i32
    %cond3A_24 = arith.cmpi ne, %convert_element_type3A_22, %cond3A_23 : i32
    scf.if %cond3A_24 {
      %get3A_25 = arith.constant 0 : index
      %get3A_26 = arith.constant 0 : index
      %get3A_27 = vector.load %arg5[%get3A_25, %get3A_26] : memref<1x64xf32, #tpu.memory_space<vmem>>, vector<1x64xf32>
      %add3A_28 = arith.addf %get3A_27, %broadcast_in_dim3A : vector<1x64xf32>
      %swap3A = arith.constant 0 : index
      %swap3A_29 = arith.constant 0 : index
      %swap3A_30 = vector.load %arg5[%swap3A, %swap3A_29] : memref<1x64xf32, #tpu.memory_space<vmem>>, vector<1x64xf32>
      tpu.vector_store %arg5[%swap3A, %swap3A_29], %add3A_28 {strides = array<i32>} : memref<1x64xf32, #tpu.memory_space<vmem>>, vector<1x64xf32>,
    } else {
    }
    return
  }
  func.func @transform_0(%arg0: i32) -> (i32, i32) {
    %c0_i32 = arith.constant 0 : i32
    %c0_i32_0 = arith.constant 0 : i32
    return %arg0, %c0_i32 : i32, i32
  }
  func.func @transform_1(%arg0: i32) -> (i32, i32) {
    %c0_i32 = arith.constant 0 : i32
    %c0_i32_0 = arith.constant 0 : i32
    return %arg0, %c0_i32 : i32, i32
  }
  func.func @transform_2(%arg0: i32) -> (i32, i32) {
    %c0_i32 = arith.constant 0 : i32
    %c0_i32_0 = arith.constant 0 : i32
    return %arg0, %c0_i32 : i32, i32
  }
  func.func @transform_3(%arg0: i32) -> (i32, i32) {
    %c0_i32 = arith.constant 0 : i32
    %c0_i32_0 = arith.constant 0 : i32
    %c0_i32_1 = arith.constant 0 : i32
    return %c0_i32, %c0_i32_0 : i32, i32
  }
  func.func @transform_4(%arg0: i32) -> (i32, i32) {
    %c0_i32 = arith.constant 0 : i32
    %c0_i32_0 = arith.constant 0 : i32
    %c0_i32_1 = arith.constant 0 : i32
    return %c0_i32, %c0_i32_0 : i32, i32
  }
}

</mosaic_0001>

<sc_bundles>
// kernel: kernel.12.cloned.1.call-start
scs
__scs_entry_jumppad:
0x0: {  	(pc) =	sbr.rel $0x88, $3  }
0x1: {  	(tag) =	ssettag $0x0;
	lr =	simm.s32 $0x1  }
0x2: {  	[smem:$0x3F8C] =	sst lr;
	_ =	strace $0xD0000000  }
0x3: {  	_ = 	snop  }
0x4: {  	_ = 	snop  }
0x5: {  	_ = 	snop  }
0x6: {  	_ = 	snop  }
0x7: {  	_ = 	snop  }
__scs_overlays_trampoline_lowered:
0x8: {  	[smem:$0x3F9B] =	sst s0  }
0x9: {  	[smem:$0x3F9C] =	sst s1  }
0xa: {  	[smem:$0x3F9D] =	sst s2  }
0xb: {  	[smem:$0x3F9E] =	sst s3  }
0xc: {  	[smem:$0x3F9F] =	sst s4  }
0xd: {  	[smem:$0x3FA0] =	sst s5  }
0xe: {  	[smem:$0x3FA1] =	sst s6  }
0xf: {  	[smem:$0x3FA2] =	sst s7  }
0x10: {  	[smem:$0x3FA3] =	sst s8  }
0x11: {  	[smem:$0x3FA4] =	sst s9;
	s0 =	simm.s32 @!p0 $0x0  }
0x12: {  	s1 =	sld [smem:$0x3F8A];
	s0 =	simm.s32 @p0 $0x1  }
0x13: {  	[smem:$0x3FA5] =	sst s0;
	s0 =	simm.s32 @!p1 $0x0  }
0x14: {  	s2 =	sld [smem:$0x3F89];
	s0 =	simm.s32 @p1 $0x1  }
0x15: {  	[smem:$0x3FA6] =	sst s0;
	s0 =	simm.s32 @!p2 $0x0  }
0x16: {  	s3 =	sld [smem:$0x3FDB];
	s0 =	simm.s32 @p2 $0x1  }
0x17: {  	s4 =	simm.s32 $0x1BF5;
	[smem:$0x3FA8] =	sst s0  }
0x18: {  	s0 =	sld [smem:$0x3F8B];
	_ =	swait.ge [sflag:s4], $0x0  }
0x19: {  	s7 =	sld [smem:$0x3F8C]  }
0x1a: {  	s8 =	sadd.s32 $0xFFFFE003, lr  }
0x1b: {  	s9 =	sadd.s32 $0xFFFFFEF7, lr;
	s5 =	simm.s32 $0xFFFFFFFF;
	p2 =	slt.u32 s8, $0xFFFFF086  }
0x1c: {  	p1 =	slt.u32 s9, $0xF7A;
	s5 =	simm.s32 @!p2 $0x0  }
0x1d: {  	s5 =	simm.s32 @p1 $0x1;
	p0 =	seq.s32 s7, s2  }
0x1e: {  	s7 =	smul.u32 @!p0 $0xF7A, s2;
	p2 =	seq.s32 @!p0 s5, $0x0  }
0x1f: {  	s9 =	smul.u32 $0xF7A, s1;
	s8 =	simm.s32 @!p0 $0x1BF5;
	p2 =	por !p2, p0  }
0x20: {  	[sflag:s8] =	ssyncset.s32 @!p0 $0xFFFFF086;
	s6 =	sadd.s32 @!p0 s3, s7;
	s7 =	simm.s32 @!p0 $0x108  }
0x21: {  	s3 =	sadd.s32 s3, s9;
	s6 =	sadd.s32 @!p0 $0x88, s6;
	s7 =	simm.s32 @p2 $0x1082  }
0x22: {  	[simem:s7], [sflag:s8] =	dma.local @!p0 [hbm:s6], $0xF7A  }
0x23: {  	s9 =	sor.u32 $0xD0000000, s2;
	s6 =	simm.s32 $0x108;
	_ =	swait.ge @!p0 [sflag:s8], $0x0  }
0x24: {  	s3 =	sadd.s32 $0x88, s3;
	s6 =	simm.s32 @!p1 $0x1082;
	[sflag:s4] =	ssyncset.s32 $0xFFFFF086  }
0x25: {  	[simem:s6], [sflag:s4] =	dma.local [hbm:s3], $0xF7A  }
0x26: {  	[smem:$0x3F8C] =	sst s1;
	(tag) =	ssettag s2;
	_ =	strace s9  }
0x27: {  	s1 =	sld [smem:$0x3F9C]  }
0x28: {  	s2 =	sld [smem:$0x3F9D]  }
0x29: {  	s4 =	sld [smem:$0x3F9F]  }
0x2a: {  	p0 =	seq.s32 s5, $0x0;
	s5 =	sld [smem:$0x3FA0]  }
0x2b: {  	s6 =	sld [smem:$0x3FA1]  }
0x2c: {  	s7 =	sld [smem:$0x3FA2]  }
0x2d: {  	s3 =	simm.s32 $0x108;
	s8 =	sld [smem:$0x3FA3]  }
0x2e: {  	s3 =	simm.s32 @!p0 $0x1082;
	s9 =	sld [smem:$0x3FA4]  }
0x2f: {  	lr =	sadd.s32 s0, s3;
	s0 =	sld [smem:$0x3F9B]  }
0x30: {  	s3 =	sld [smem:$0x3F9E]  }
0x31: {  	[smem:$0x3FA7] =	sst s10  }
0x32: {  	s10 =	sld [smem:$0x3FA5];
	_ =	sdelay $0x3  }
0x33: {  	p0 =	seq.s32 s10, $0x1;
	s10 =	sld [smem:$0x3FA7];
	_ =	sdelay $0x3  }
0x34: {  	[smem:$0x3FA7] =	sst s10  }
0x35: {  	s10 =	sld [smem:$0x3FA6];
	_ =	sdelay $0x3  }
0x36: {  	p1 =	seq.s32 s10, $0x1;
	s10 =	sld [smem:$0x3FA7];
	_ =	sdelay $0x3  }
0x37: {  	[smem:$0x3FA7] =	sst s10  }
0x38: {  	s10 =	sld [smem:$0x3FA8]  }
0x39: {  	_ = 	snop;
	(pc) =	sbr.ind lr, $3  }
0x3a: {  	_ = 	snop  }
0x3b: {  	_ = 	snop  }
0x3c: {  	p2 =	seq.s32 s10, $0x1;
	s10 =	sld [smem:$0x3FA7]  }
0x3d: {  	_ =	shalt  }
0x3e: {  	_ =	shalt  }
0x3f: {  	_ =	shalt  }
0x40: {  	_ =	shalt  }
0x41: {  	_ =	shalt  }
0x42: {  	_ =	shalt  }
0x43: {  	_ =	shalt  }
0x44: {  	_ =	shalt  }
0x45: {  	_ =	shalt  }
0x46: {  	_ =	shalt  }
0x47: {  	_ =	shalt  }
0x48: {  	_ =	shalt  }
0x49: {  	_ =	shalt  }
0x4a: {  	_ =	shalt  }
0x4b: {  	_ =	shalt  }
0x4c: {  	_ =	shalt  }
0x4d: {  	_ =	shalt  }
0x4e: {  	_ =	shalt  }
0x4f: {  	_ =	shalt  }
0x50: {  	_ =	shalt  }
0x51: {  	_ =	shalt  }
0x52: {  	_ =	shalt  }
0x53: {  	_ =	shalt  }
0x54: {  	_ =	shalt  }
0x55: {  	_ =	shalt  }
0x56: {  	_ =	shalt  }
0x57: {  	_ =	shalt  }
0x58: {  	_ =	shalt  }
0x59: {  	_ =	shalt  }
0x5a: {  	_ =	shalt  }
0x5b: {  	_ =	shalt  }
0x5c: {  	_ =	shalt  }
0x5d: {  	_ =	shalt  }
0x5e: {  	_ =	shalt  }
0x5f: {  	_ =	shalt  }
0x60: {  	_ =	shalt  }
0x61: {  	_ =	shalt  }
0x62: {  	_ =	shalt  }
0x63: {  	_ =	shalt  }
0x64: {  	_ =	shalt  }
0x65: {  	_ =	shalt  }
0x66: {  	_ =	shalt  }
0x67: {  	_ =	shalt  }
0x68: {  	_ =	shalt  }
0x69: {  	_ =	shalt  }
0x6a: {  	_ =	shalt  }
0x6b: {  	_ =	shalt  }
0x6c: {  	_ =	shalt  }
0x6d: {  	_ =	shalt  }
0x6e: {  	_ =	shalt  }
0x6f: {  	_ =	shalt  }
0x70: {  	_ =	shalt  }
0x71: {  	_ =	shalt  }
0x72: {  	_ =	shalt  }
0x73: {  	_ =	shalt  }
0x74: {  	_ =	shalt  }
0x75: {  	_ =	shalt  }
0x76: {  	_ =	shalt  }
0x77: {  	_ =	shalt  }
0x78: {  	_ =	shalt  }
0x79: {  	_ =	shalt  }
0x7a: {  	_ =	shalt  }
0x7b: {  	_ =	shalt  }
0x7c: {  	_ =	shalt  }
0x7d: {  	_ =	shalt  }
0x7e: {  	_ =	shalt  }
0x7f: {  	_ =	shalt  }
0x80: {  	_ =	shalt  }
0x81: {  	_ =	shalt  }
0x82: {  	_ =	shalt  }
0x83: {  	_ =	shalt  }
0x84: {  	_ =	shalt  }
0x85: {  	_ =	shalt  }
0x86: {  	_ =	shalt  }
0x87: {  	_ =	shalt  }
.Lfunc_end0:
.L_simem_size_0:
called_computation_lowered:
.L_overlay_start_0:
0x88: {  	s2 =	sld [smem:$0x3FD9]  }
0x89: {  	s3 =	sld [smem:$0x3FFE];
	_ =	sdelay $0x1  }
0x8a: {  	s1 =	srdreg.scid  }
0x8b: {  	s0 =	sand.u32 $0x1, s1  }
0x8c: {  	s17 =	sshll.u32 s0, $0xA;
	s2 =	sadd.s32 s3, s2  }
0x8d: {  	s2 =	sadd.s32 s2, s17  }
0x8e: {  	[smem:$0x3FB3] =	sst s2  }
0x8f: {  	_ = 	snop  }
0x90: {  	(tm) =	ssettm $0x1  }
0x91: {  	s18 =	sld [smem:$0x3FFB];
	_ =	sdelay $0x3  }
0x92: {  	_ =	strace s18  }
0x93: {  	s2 =	sld [smem:$0x3FFC];
	_ =	sdelay $0x3  }
0x94: {  	_ =	strace s2  }
0x95: {  	s2 =	sld [smem:$0x3FFD];
	_ =	sdelay $0x3  }
0x96: {  	_ =	strace s2  }
0x97: {  	_ =	strace $0x8FFFFFFF  }
0x98: {  	s19 =	sld [smem:$0x3FDB];
	_ =	sdelay $0x1  }
0x99: {  	s20 =	simm.s32 $_scs_section_size  }
0x9a: {  	s4 =	simm.s32 $_size__tile_overlayer_lowered;
	s5 =	simm.s32 $_tile_overlayer_lowered  }
0x9b: {  	s6 =	simm.s32 $0x1BFF;
	s21 =	sshll.u32 s5, $0x1;
	s3 =	sadd.s32 s20, s19  }
0x9c: {  	s22 =	simm.s32 $0x0;
	s4 =	sshll.u32 s4, $0x1;
	s5 =	sadd.s32 s21, s3  }
0x9d: {  	[timem:s22], [sflag:s6] =	dma.local [hbm:s5], s4  }
0x9e: {  	_ =	swait.ge [sflag:s6], s4  }
0x9f: {  	s4 =	ssub.s32 $0x0, s4;
	[sflag:s6] =	ssyncset.done $0x0  }
0xa0: {  	[sflag:s6] =	ssyncadd.s32 s4;
	_ =	sdelay $0x1  }
0xa1: {  	s23 =	simm.s32 $0x1B8B  }
0xa2: {  	_ =	swait.ge [sflag:s23], $0x1  }
0xa3: {  	[sflag:s23] =	ssyncset.done $0x0  }
0xa4: {  	[sflag:s23] =	ssyncadd.s32 $0xFFFFFFFF  }
0xa5: {  	s4 =	sld [smem:$0x0]  }
0xa6: {  	s5 =	sand.u32 $0xFFFFFFFE, s1  }
0xa7: {  	p0 =	sne.s32 s1, s5  }
0xa8: {  	s5 =	sshll.u32 @p0 s5, $0xE  }
0xa9: {  	s5 =	sadd.s32 @p0 $0x11B8D, s5;
	s6 =	sshll.u32 @p0 s4, $0x11  }
0xaa: {  	s5 =	sor.u32 @p0 s6, s5  }
0xab: {  	[sflag:s5] =	ssyncadd.remote.s32 @p0 $0x1;
	_ =	sdelay $0x1  }
0xac: {  	s5 =	simm.s32 @p0 $0x1B8D  }
0xad: {  	_ =	swait.eq @p0 [sflag:s5], $0x1  }
0xae: {  	[sflag:s5] =	ssyncadd.s32 @p0 $0xFFFFFFFF  }
0xaf: {  	s6 =	sshll.u32 @!p0 s1, $0xE  }
0xb0: {  	s6 =	sor.u32 @!p0 $0x4000, s6;
	s5 =	simm.s32 @!p0 $0x1B8D  }
0xb1: {  	s4 =	sshll.u32 @!p0 s4, $0x11;
	s6 =	sadd.s32 @!p0 $0x11B8D, s6;
	_ =	swait.eq @!p0 [sflag:s5], $0x1  }
0xb2: {  	s4 =	sor.u32 @!p0 s4, s6;
	[sflag:s5] =	ssyncadd.s32 @!p0 $0xFFFFFFFF  }
0xb3: {  	s25 =	simm.s32 $0x1B8E;
	s24 =	sld [smem:$0x3FFE];
	[sflag:s4] =	ssyncadd.remote.s32 @!p0 $0x1  }
0xb4: {  	s26 =	simm.s32 $execute0_lowered;
	[smem:$0x3FD2] =	sst s25  }
0xb5: {  	s5 =	sshll.u32 s26, $0x1;
	_ =	strace $0x80000049;
	[dreg:$0x1] =	wrdreg $0xFFFFFFFF  }
0xb6: {  	s28 =	simm.s32 $_size_execute0_lowered;
	s3 =	sadd.s32 s3, s5;
	[dreg:$0x0] =	wrdreg $0x0  }
0xb7: {  	s5 =	sshll.u32 s28, $0x1;
	[dreg:$0x2] =	wrdreg s3  }
0xb8: {  	[dreg:$0x3] =	wrdreg s5  }
0xb9: {  	[dreg:$0x4] =	wrdreg $0xC0  }
0xba: {  	_ =	task [dreg:s22], $0x5FFFF  }
0xbb: {  	[dreg:$0x1] =	wrdreg $0xFFFFFFFF  }
0xbc: {  	[dreg:$0x0] =	wrdreg $0x60  }
0xbd: {  	[dreg:$0x2] =	wrdreg s24  }
0xbe: {  	[dreg:$0x3] =	wrdreg $0x8800  }
0xbf: {  	[dreg:$0x4] =	wrdreg $0x9  }
0xc0: {  	_ =	task.clear_ibuf [dreg:s22], $0x5FFFF;
	_ =	strace $0x90000049  }
0xc1: {  	s29 =	simm.s32 $0x9;
	_ =	strace $0x8000004B  }
0xc2: {  	_ =	swait.ge [sflag:s29], $0x1  }
0xc3: {  	[sflag:s29] =	ssyncadd.s32 $0xFFFFFFFF  }
0xc4: {  	_ =	strace $0x9000004B  }
0xc5: {  	_ =	sfence  }
0xc6: {  	s30 =	sld [smem:$0x0];
	_ =	sdelay $0x2  }
0xc7: {  	s31 =	sshll.u32 s1, $0xD;
	s1 =	sshrl.u32 s1, $0x2  }
0xc8: {  	s4 =	sand.u32 $0x4000, s31;
	s1 =	sadd.s32 s1, s30  }
0xc9: {  	s0 =	sor.u32 s4, s0;
	s1 =	sshll.u32 s1, $0x11  }
0xca: {  	s0 =	sor.u32 s1, s0  }
0xcb: {  	s0 =	sadd.s32 $0x8F2B, s0  }
0xcc: {  	[sflag:s0] =	ssyncadd.remote.s32 $0x1  }
0xcd: {  	_ =	sfence.sel $0xFFFF  }
0xce: {  	[dreg:$0x0] =	wrdreg $0xFFFFFFFF;
	(pc) =	sbr.abs _section_cstart, $3  }
0xcf: {  	[dreg:$0x1] =	wrdreg $0xFFFFFFFF  }
0xd0: {  	_ =	task.clear_ibuf [dreg:s22], $0x2FFFF;
	_ =	strace $0x9FFFFFFF  }
0xd1: {  	(tm) =	ssettm $0x7FFFFFFF  }
tec
execute0_lowered:
.L_overlay_start_1:
0x0: {  	(tag) =	ssettag $0x1  }
0x1: {  	s0 =	srdreg.scid  }
0x2: {  	s4 =	sand.u32 $0x1, s0  }
0x3: {  	s5 =	rddreg [dreg:$0x0];
	s6 =	smul.u32 $0x28000, s4  }
0x4: {  	s0 =	stileid.u32;
	s7 =	smul.u32 $0x14000, s4  }
0x5: {  	s2 =	rddreg [dreg:$0x1];
	s8 =	smul.u32 $0x1400, s0  }
0x6: {  	s1 =	rddreg [dreg:$0x2];
	s3 =	simm.s32 $0x0;
	s9 =	smul.u32 $0x2780, s0  }
0x7: {  	[smem:$0x7FF] =	sst s3;
	s24 =	smul.u32 $0x27800, s4  }
0x8: {  	_ =	strace $0x8000004A;
	s4 =	ssub.s32 $0x2, s4;
	s30 =	sshll.u32 s0, $0x6  }
0x9: {  	s12 =	smul.u32 $0x2800, s0;
	s28 =	sshrl.u32 s4, $0x1;
	s7 =	sadd.s32 s8, s7  }
0xa: {  	s10 =	sadd.s32 s6, s5;
	s25 =	sadd.s32 s9, s24;
	s26 =	sshrl.u32 s9, $0x3  }
0xb: {  	s29 =	ssub.s32 s4, s28;
	s13 =	sadd.s32 s9, s2;
	s7 =	sshrl.u32 s7, $0x3  }
0xc: {  	s6 =	sshrl.u32 s25, $0x3;
	s31 =	sadd.s32 s12, s10;
	s10 =	sshrl.u32 s13, $0x3  }
0xd: {  	s12 =	simm.s32 $0x80;
	s11 =	sadd.s32 s7, s5;
	s7 =	sadd.s32 s26, s5  }
0xe: {  	s6 =	sadd.s32 s6, s5;
	s5 =	sor.u32 $0x1C01, s30;
	s8 =	sadd.s32 $0xB47A00, s31  }
0xf: {  	s13 =	simm.s32 $0x0;
	s4 =	sadd.s32 $0xB97A00, s7;
	s6 =	sadd.s32 $0xB9CA00, s6  }
0x10: {  	s7 =	smax.u32 s29, $0x1;
	s9 =	sadd.s32 $0x13DA00, s11;
	s11 =	simm.s32 $0x1  }
.LBB2_1:
0x11: {  	[spmem:s10], [sflag:s5] =	dma.local [hbm:s4], $0x4F0  }
0x12: {  	_ =	swait.ge [sflag:s11], $0x4F0  }
0x13: {  	[sflag:s11] =	ssyncset.done $0x0  }
0x14: {  	[sflag:s11] =	ssyncadd.s32 $0xFFFFFB10  }
0x15: {  	s14 =	sadd.s32 $0x0, s9;
	[bflag:$0x0] =	sbarrier.arrive $0xFFFF  }
0x16: {  	[tilespmem:s3], [sflag:$0x1] =	stream.linear.gather [hbm4b:s14+s3], $0x80, $0x38;
	[tilespmem:$0x3000] =	vst v63  }
0x17: {  	_ =	swait.ge [sflag:s11], $0x80  }
0x18: {  	[sflag:s11] =	ssyncset.done $0x0  }
0x19: {  	[sflag:s11] =	ssyncadd.s32 $0xFFFFFF80  }
0x1a: {  	[tilespmem:s12], [sflag:$0x1] =	stream.linear.gather [hbm4b:s8+s3], $0x800, $0x38;
	[tilespmem:$0x3000] =	vst v63  }
0x1b: {  	_ =	swait.ge [sflag:s11], $0x800  }
0x1c: {  	[sflag:s11] =	ssyncset.done $0x0  }
0x1d: {  	[sflag:s11] =	ssyncadd.s32 $0xFFFFF800  }
0x1e: {  	[spmem:s2] =	stream.indirect.scatter.add.f32 [tilespmem:s12], [sflag:$0x1], $0x10, s3, s12, $0xb8;
	[tilespmem:$0x3000] =	vst v63  }
0x1f: {  	s15 =	simm.s32 $0x10;
	_ =	swait.ge [sflag:s11], $0x800  }
0x20: {  	s16 =	simm.s32 $0x20;
	s14 =	sadd.s32 $0x100, s8;
	[sflag:s11] =	ssyncset.done $0x0  }
.LBB2_2:
0x21: {  	s17 =	sadd.s32 s15, s9  }
0x22: {  	[sflag:s11] =	ssyncadd.s32 $0xFFFFF800;
	s15 =	smov.u32 s16;
	s18 =	sadd.s32 $0x10, s16  }
0x23: {  	[tilespmem:s3], [sflag:$0x1] =	stream.linear.gather [hbm4b:s17+s3], $0x80, $0x38;
	[tilespmem:$0x3000] =	vst v63  }
0x24: {  	p0 =	sne.s32 s16, $0x270;
	_ =	swait.ge [sflag:s11], $0x80  }
0x25: {  	[sflag:s11] =	ssyncset.done $0x0  }
0x26: {  	[sflag:s11] =	ssyncadd.s32 $0xFFFFFF80  }
0x27: {  	[tilespmem:s12], [sflag:$0x1] =	stream.linear.gather [hbm4b:s14+s3], $0x800, $0x38;
	[tilespmem:$0x3000] =	vst v63  }
0x28: {  	_ =	swait.ge [sflag:s11], $0x800  }
.Ltmp0:
0x29: {  	[sflag:s11] =	ssyncset.done $0x0;
	(pc) =	sbr.rel @p0 .LBB2_2-.Ltmp0, $4  }
0x2a: {  	[sflag:s11] =	ssyncadd.s32 $0xFFFFF800  }
0x2b: {  	[spmem:s2] =	stream.indirect.scatter.add.f32 [tilespmem:s12], [sflag:$0x1], $0x10, s3, s12, $0xb8;
	[tilespmem:$0x3000] =	vst v63  }
0x2c: {  	_ =	swait.ge [sflag:s11], $0x800  }
0x2d: {  	s16 =	smov.u32 s18;
	s14 =	sadd.s32 $0x100, s14;
	[sflag:s11] =	ssyncset.done $0x0  }
0x2e: {  	s15 =	sadd.s32 s15, s9;
	[sflag:s11] =	ssyncadd.s32 $0xFFFFF800  }
0x2f: {  	[tilespmem:s3], [sflag:$0x1] =	stream.linear.gather [hbm4b:s15+s3], $0x80, $0x38;
	[tilespmem:$0x3000] =	vst v63  }
0x30: {  	_ =	swait.ge [sflag:s11], $0x80  }
0x31: {  	[sflag:s11] =	ssyncset.done $0x0  }
0x32: {  	[sflag:s11] =	ssyncadd.s32 $0xFFFFFF80  }
0x33: {  	[tilespmem:s12], [sflag:$0x1] =	stream.linear.gather [hbm4b:s14+s3], $0x800, $0x38;
	[tilespmem:$0x3000] =	vst v63  }
0x34: {  	_ =	swait.ge [sflag:s11], $0x800  }
0x35: {  	[sflag:s11] =	ssyncset.done $0x0  }
0x36: {  	[sflag:s11] =	ssyncadd.s32 $0xFFFFF800  }
0x37: {  	[spmem:s2] =	stream.indirect.scatter.add.f32 [tilespmem:s12], [sflag:$0x1], $0x10, s3, s12, $0xb8;
	[tilespmem:$0x3000] =	vst v63  }
0x38: {  	_ =	swait.ge [sflag:s11], $0x800  }
0x39: {  	s13 =	sadd.s32 $0x1, s13;
	[sflag:s11] =	ssyncset.done $0x0  }
0x3a: {  	p0 =	sne.s32 s13, s7;
	[sflag:s11] =	ssyncadd.s32 $0xFFFFF800  }
.Ltmp1:
0x3b: {  	[bflag:$0x0] =	sbarrier.arrive $0xFFFF;
	(pc) =	sbr.rel @p0 .LBB2_1-.Ltmp1, $4  }
0x3c: {  	[hbm:s6], [sflag:s5] =	dma.local [spmem:s10], $0x4F0  }
0x3d: {  	_ =	swait.ge [sflag:s11], $0x4F0  }
0x3e: {  	[sflag:s11] =	ssyncset.done $0x0  }
0x3f: {  	[sflag:s11] =	ssyncadd.s32 $0xFFFFFB10  }
0x40: {  	_ =	sfence.sel $0x180000  }
0x41: {  	[bflag:$0x0] =	sbarrier.arrive $0xFFFF  }
0x42: {  	p0 =	sne.s32 s0, $0x0;
	_ =	strace $0x9000004A  }
0x43: {  	s0 =	sadd.s32 @!p0 $0x100000, s1;
	[bflag:$0x2] =	sbarrier.arrive $0xFFFF  }
0x44: {  	[sflag:s0] =	ssyncadd.tile.s32 @!p0 $0x1;
	_ =	shalt  }
.Lfunc_end2:
_tile_overlayer_lowered:
.L_overlay_start_2:
0x45: {  	(tag) =	ssettag $0x2  }
0x46: {  	s0 =	rddreg [dreg:$0x0];
	s2 =	stileid.u32  }
0x47: {  	s1 =	rddreg [dreg:$0x1];
	p0 =	sne.s32 s2, $0x0  }
0x48: {  	s3 =	rddreg [dreg:$0x2];
	[bflag:$0x3] =	sbarrier.arrive $0xFFFF;
	s2 =	simm.s32 @!p0 $0x1C01  }
0x49: {  	[timem:s3], [sflag:s2] =	dma.local @!p0 [hbm:s0], s1  }
0x4a: {  	s0 =	simm.s32 @!p0 $0x1  }
0x4b: {  	_ =	swait.ge @!p0 [sflag:s0], s1  }
0x4c: {  	s1 =	ssub.s32 @!p0 $0x0, s1;
	[sflag:s0] =	ssyncset.done @!p0 $0x0  }
0x4d: {  	[sflag:s0] =	ssyncadd.s32 @!p0 s1  }
0x4e: {  	[bflag:$0x3] =	sbarrier.arrive $0xFFFF  }
0x4f: {  	_ =	shalt  }

// kernel: kernel.15.cloned.1.call-start
scs
__scs_entry_jumppad:
0x0: {  	(pc) =	sbr.rel $0x88, $3  }
0x1: {  	(tag) =	ssettag $0x0;
	lr =	simm.s32 $0x1  }
0x2: {  	[smem:$0x3F8C] =	sst lr;
	_ =	strace $0xD0000000  }
0x3: {  	_ = 	snop  }
0x4: {  	_ = 	snop  }
0x5: {  	_ = 	snop  }
0x6: {  	_ = 	snop  }
0x7: {  	_ = 	snop  }
__scs_overlays_trampoline_lowered:
0x8: {  	[smem:$0x3F9B] =	sst s0  }
0x9: {  	[smem:$0x3F9C] =	sst s1  }
0xa: {  	[smem:$0x3F9D] =	sst s2  }
0xb: {  	[smem:$0x3F9E] =	sst s3  }
0xc: {  	[smem:$0x3F9F] =	sst s4  }
0xd: {  	[smem:$0x3FA0] =	sst s5  }
0xe: {  	[smem:$0x3FA1] =	sst s6  }
0xf: {  	[smem:$0x3FA2] =	sst s7  }
0x10: {  	[smem:$0x3FA3] =	sst s8  }
0x11: {  	[smem:$0x3FA4] =	sst s9;
	s0 =	simm.s32 @!p0 $0x0  }
0x12: {  	s1 =	sld [smem:$0x3F8A];
	s0 =	simm.s32 @p0 $0x1  }
0x13: {  	[smem:$0x3FA5] =	sst s0;
	s0 =	simm.s32 @!p1 $0x0  }
0x14: {  	s2 =	sld [smem:$0x3F89];
	s0 =	simm.s32 @p1 $0x1  }
0x15: {  	[smem:$0x3FA6] =	sst s0;
	s0 =	simm.s32 @!p2 $0x0  }
0x16: {  	s3 =	sld [smem:$0x3FDB];
	s0 =	simm.s32 @p2 $0x1  }
0x17: {  	s4 =	simm.s32 $0x1BF5;
	[smem:$0x3FA8] =	sst s0  }
0x18: {  	s0 =	sld [smem:$0x3F8B];
	_ =	swait.ge [sflag:s4], $0x0  }
0x19: {  	s7 =	sld [smem:$0x3F8C]  }
0x1a: {  	s8 =	sadd.s32 $0xFFFFE003, lr  }
0x1b: {  	s9 =	sadd.s32 $0xFFFFFEF7, lr;
	s5 =	simm.s32 $0xFFFFFFFF;
	p2 =	slt.u32 s8, $0xFFFFF086  }
0x1c: {  	p1 =	slt.u32 s9, $0xF7A;
	s5 =	simm.s32 @!p2 $0x0  }
0x1d: {  	s5 =	simm.s32 @p1 $0x1;
	p0 =	seq.s32 s7, s2  }
0x1e: {  	s7 =	smul.u32 @!p0 $0xF7A, s2;
	p2 =	seq.s32 @!p0 s5, $0x0  }
0x1f: {  	s9 =	smul.u32 $0xF7A, s1;
	s8 =	simm.s32 @!p0 $0x1BF5;
	p2 =	por !p2, p0  }
0x20: {  	[sflag:s8] =	ssyncset.s32 @!p0 $0xFFFFF086;
	s6 =	sadd.s32 @!p0 s3, s7;
	s7 =	simm.s32 @!p0 $0x108  }
0x21: {  	s3 =	sadd.s32 s3, s9;
	s6 =	sadd.s32 @!p0 $0x88, s6;
	s7 =	simm.s32 @p2 $0x1082  }
0x22: {  	[simem:s7], [sflag:s8] =	dma.local @!p0 [hbm:s6], $0xF7A  }
0x23: {  	s9 =	sor.u32 $0xD0000000, s2;
	s6 =	simm.s32 $0x108;
	_ =	swait.ge @!p0 [sflag:s8], $0x0  }
0x24: {  	s3 =	sadd.s32 $0x88, s3;
	s6 =	simm.s32 @!p1 $0x1082;
	[sflag:s4] =	ssyncset.s32 $0xFFFFF086  }
0x25: {  	[simem:s6], [sflag:s4] =	dma.local [hbm:s3], $0xF7A  }
0x26: {  	[smem:$0x3F8C] =	sst s1;
	(tag) =	ssettag s2;
	_ =	strace s9  }
0x27: {  	s1 =	sld [smem:$0x3F9C]  }
0x28: {  	s2 =	sld [smem:$0x3F9D]  }
0x29: {  	s4 =	sld [smem:$0x3F9F]  }
0x2a: {  	p0 =	seq.s32 s5, $0x0;
	s5 =	sld [smem:$0x3FA0]  }
0x2b: {  	s6 =	sld [smem:$0x3FA1]  }
0x2c: {  	s7 =	sld [smem:$0x3FA2]  }
0x2d: {  	s3 =	simm.s32 $0x108;
	s8 =	sld [smem:$0x3FA3]  }
0x2e: {  	s3 =	simm.s32 @!p0 $0x1082;
	s9 =	sld [smem:$0x3FA4]  }
0x2f: {  	lr =	sadd.s32 s0, s3;
	s0 =	sld [smem:$0x3F9B]  }
0x30: {  	s3 =	sld [smem:$0x3F9E]  }
0x31: {  	[smem:$0x3FA7] =	sst s10  }
0x32: {  	s10 =	sld [smem:$0x3FA5];
	_ =	sdelay $0x3  }
0x33: {  	p0 =	seq.s32 s10, $0x1;
	s10 =	sld [smem:$0x3FA7];
	_ =	sdelay $0x3  }
0x34: {  	[smem:$0x3FA7] =	sst s10  }
0x35: {  	s10 =	sld [smem:$0x3FA6];
	_ =	sdelay $0x3  }
0x36: {  	p1 =	seq.s32 s10, $0x1;
	s10 =	sld [smem:$0x3FA7];
	_ =	sdelay $0x3  }
0x37: {  	[smem:$0x3FA7] =	sst s10  }
0x38: {  	s10 =	sld [smem:$0x3FA8]  }
0x39: {  	_ = 	snop;
	(pc) =	sbr.ind lr, $3  }
0x3a: {  	_ = 	snop  }
0x3b: {  	_ = 	snop  }
0x3c: {  	p2 =	seq.s32 s10, $0x1;
	s10 =	sld [smem:$0x3FA7]  }
0x3d: {  	_ =	shalt  }
0x3e: {  	_ =	shalt  }
0x3f: {  	_ =	shalt  }
0x40: {  	_ =	shalt  }
0x41: {  	_ =	shalt  }
0x42: {  	_ =	shalt  }
0x43: {  	_ =	shalt  }
0x44: {  	_ =	shalt  }
0x45: {  	_ =	shalt  }
0x46: {  	_ =	shalt  }
0x47: {  	_ =	shalt  }
0x48: {  	_ =	shalt  }
0x49: {  	_ =	shalt  }
0x4a: {  	_ =	shalt  }
0x4b: {  	_ =	shalt  }
0x4c: {  	_ =	shalt  }
0x4d: {  	_ =	shalt  }
0x4e: {  	_ =	shalt  }
0x4f: {  	_ =	shalt  }
0x50: {  	_ =	shalt  }
0x51: {  	_ =	shalt  }
0x52: {  	_ =	shalt  }
0x53: {  	_ =	shalt  }
0x54: {  	_ =	shalt  }
0x55: {  	_ =	shalt  }
0x56: {  	_ =	shalt  }
0x57: {  	_ =	shalt  }
0x58: {  	_ =	shalt  }
0x59: {  	_ =	shalt  }
0x5a: {  	_ =	shalt  }
0x5b: {  	_ =	shalt  }
0x5c: {  	_ =	shalt  }
0x5d: {  	_ =	shalt  }
0x5e: {  	_ =	shalt  }
0x5f: {  	_ =	shalt  }
0x60: {  	_ =	shalt  }
0x61: {  	_ =	shalt  }
0x62: {  	_ =	shalt  }
0x63: {  	_ =	shalt  }
0x64: {  	_ =	shalt  }
0x65: {  	_ =	shalt  }
0x66: {  	_ =	shalt  }
0x67: {  	_ =	shalt  }
0x68: {  	_ =	shalt  }
0x69: {  	_ =	shalt  }
0x6a: {  	_ =	shalt  }
0x6b: {  	_ =	shalt  }
0x6c: {  	_ =	shalt  }
0x6d: {  	_ =	shalt  }
0x6e: {  	_ =	shalt  }
0x6f: {  	_ =	shalt  }
0x70: {  	_ =	shalt  }
0x71: {  	_ =	shalt  }
0x72: {  	_ =	shalt  }
0x73: {  	_ =	shalt  }
0x74: {  	_ =	shalt  }
0x75: {  	_ =	shalt  }
0x76: {  	_ =	shalt  }
0x77: {  	_ =	shalt  }
0x78: {  	_ =	shalt  }
0x79: {  	_ =	shalt  }
0x7a: {  	_ =	shalt  }
0x7b: {  	_ =	shalt  }
0x7c: {  	_ =	shalt  }
0x7d: {  	_ =	shalt  }
0x7e: {  	_ =	shalt  }
0x7f: {  	_ =	shalt  }
0x80: {  	_ =	shalt  }
0x81: {  	_ =	shalt  }
0x82: {  	_ =	shalt  }
0x83: {  	_ =	shalt  }
0x84: {  	_ =	shalt  }
0x85: {  	_ =	shalt  }
0x86: {  	_ =	shalt  }
0x87: {  	_ =	shalt  }
.Lfunc_end0:
.L_simem_size_0:
called_computation.1_lowered:
.L_overlay_start_0:
0x88: {  	s2 =	sld [smem:$0x3FD9]  }
0x89: {  	s3 =	sld [smem:$0x3FFE];
	_ =	sdelay $0x1  }
0x8a: {  	s1 =	srdreg.scid  }
0x8b: {  	s0 =	sand.u32 $0x1, s1  }
0x8c: {  	s16 =	sshll.u32 s0, $0xA;
	s2 =	sadd.s32 s3, s2  }
0x8d: {  	s2 =	sadd.s32 s2, s16  }
0x8e: {  	[smem:$0x3FB3] =	sst s2  }
0x8f: {  	_ = 	snop  }
0x90: {  	(tm) =	ssettm $0x1  }
0x91: {  	s17 =	sld [smem:$0x3FFB];
	_ =	sdelay $0x3  }
0x92: {  	_ =	strace s17  }
0x93: {  	s2 =	sld [smem:$0x3FFC];
	_ =	sdelay $0x3  }
0x94: {  	_ =	strace s2  }
0x95: {  	s2 =	sld [smem:$0x3FFD];
	_ =	sdelay $0x3  }
0x96: {  	_ =	strace s2  }
0x97: {  	_ =	strace $0x8FFFFFFF  }
0x98: {  	s18 =	sld [smem:$0x3FDB];
	_ =	sdelay $0x1  }
0x99: {  	s19 =	simm.s32 $_scs_section_size  }
0x9a: {  	s4 =	simm.s32 $_size__tile_overlayer_lowered;
	s5 =	simm.s32 $_tile_overlayer_lowered  }
0x9b: {  	s22 =	simm.s32 $0x1BFF;
	s21 =	sshll.u32 s5, $0x1;
	s2 =	sadd.s32 s19, s18  }
0x9c: {  	s6 =	simm.s32 $0x0;
	s20 =	sshll.u32 s4, $0x1;
	s4 =	sadd.s32 s21, s2  }
0x9d: {  	[timem:s6], [sflag:s22] =	dma.local [hbm:s4], s20  }
0x9e: {  	_ =	swait.ge [sflag:s22], s20  }
0x9f: {  	s3 =	ssub.s32 $0x0, s20;
	[sflag:s22] =	ssyncset.done $0x0  }
0xa0: {  	[sflag:s22] =	ssyncadd.s32 s3;
	_ =	sdelay $0x1  }
0xa1: {  	s23 =	simm.s32 $0x1B8B  }
0xa2: {  	_ =	swait.ge [sflag:s23], $0x1  }
0xa3: {  	[sflag:s23] =	ssyncset.done $0x0  }
0xa4: {  	s25 =	simm.s32 $0x1B8E;
	s24 =	sld [smem:$0x3FFE];
	[sflag:s23] =	ssyncadd.s32 $0xFFFFFFFF  }
0xa5: {  	s26 =	simm.s32 $execute0_lowered;
	[smem:$0x3FD2] =	sst s25  }
0xa6: {  	s4 =	sshll.u32 s26, $0x1;
	_ =	strace $0x80000046;
	[dreg:$0x1] =	wrdreg $0xFFFFFFFF  }
0xa7: {  	s28 =	simm.s32 $_size_execute0_lowered;
	s2 =	sadd.s32 s2, s4;
	[dreg:$0x0] =	wrdreg $0x0  }
0xa8: {  	s4 =	sshll.u32 s28, $0x1;
	[dreg:$0x2] =	wrdreg s2  }
0xa9: {  	[dreg:$0x3] =	wrdreg s4  }
0xaa: {  	[dreg:$0x4] =	wrdreg $0xC0  }
0xab: {  	_ =	task [dreg:s6], $0x5FFFF  }
0xac: {  	[dreg:$0x1] =	wrdreg $0xFFFFFFFF  }
0xad: {  	[dreg:$0x0] =	wrdreg $0x60  }
0xae: {  	[dreg:$0x2] =	wrdreg s24  }
0xaf: {  	[dreg:$0x3] =	wrdreg $0xA  }
0xb0: {  	_ =	task.clear_ibuf [dreg:s6], $0x4FFFF;
	_ =	strace $0x90000046  }
0xb1: {  	s29 =	simm.s32 $0xA;
	_ =	strace $0x80000048  }
0xb2: {  	_ =	swait.ge [sflag:s29], $0x1  }
0xb3: {  	[sflag:s29] =	ssyncadd.s32 $0xFFFFFFFF  }
0xb4: {  	_ =	strace $0x90000048  }
0xb5: {  	_ =	sfence  }
0xb6: {  	s30 =	sld [smem:$0x0];
	_ =	sdelay $0x2  }
0xb7: {  	s31 =	sshll.u32 s1, $0xD;
	s1 =	sshrl.u32 s1, $0x2  }
0xb8: {  	s3 =	sand.u32 $0x4000, s31;
	s1 =	sadd.s32 s1, s30  }
0xb9: {  	s0 =	sor.u32 s3, s0;
	s1 =	sshll.u32 s1, $0x11  }
0xba: {  	s0 =	sor.u32 s1, s0  }
0xbb: {  	s0 =	sadd.s32 $0x8F2B, s0  }
0xbc: {  	[sflag:s0] =	ssyncadd.remote.s32 $0x1  }
0xbd: {  	_ =	sfence.sel $0xFFFF  }
0xbe: {  	[dreg:$0x0] =	wrdreg $0xFFFFFFFF;
	(pc) =	sbr.abs _section_cstart, $3  }
0xbf: {  	[dreg:$0x1] =	wrdreg $0xFFFFFFFF  }
0xc0: {  	_ =	task.clear_ibuf [dreg:s6], $0x2FFFF;
	_ =	strace $0x9FFFFFFF  }
0xc1: {  	(tm) =	ssettm $0x7FFFFFFF  }
tec
execute0_lowered:
.L_overlay_start_1:
0x0: {  	(tag) =	ssettag $0x1  }
0x1: {  	s5 =	rddreg [dreg:$0x0];
	s1 =	srdreg.scid  }
0x2: {  	s0 =	rddreg [dreg:$0x1];
	s2 =	simm.s32 $0x0;
	s11 =	simm.s32 $0x80  }
0x3: {  	s12 =	simm.s32 $0x100;
	s13 =	simm.s32 $0x8100;
	s6 =	sand.u32 $0x1, s1  }
0x4: {  	s14 =	simm.s32 $0x0;
	s1 =	stileid.u32;
	s7 =	smul.u32 $0x14000, s6  }
0x5: {  	[smem:$0x7FF] =	sst s2;
	s3 =	sadd.s32 $0xEF800, s5;
	s8 =	smul.u32 $0x1400, s1  }
0x6: {  	s4 =	sadd.s32 $0xA1400, s5;
	s9 =	smul.u32 $0x280000, s6;
	s6 =	ssub.s32 $0x2, s6  }
0x7: {  	_ =	strace $0x80000047;
	s10 =	smul.u32 $0x28000, s1;
	s30 =	sshrl.u32 s6, $0x1  }
0x8: {  	s7 =	sadd.s32 s8, s7;
	s29 =	sadd.s32 s9, s5;
	s6 =	ssub.s32 s6, s30  }
0x9: {  	s7 =	sshrl.u32 s7, $0x3;
	s8 =	sadd.s32 s10, s29;
	s6 =	smax.u32 s6, $0x1  }
0xa: {  	s31 =	sadd.s32 s7, s5;
	s5 =	sadd.s32 $0x647A00, s8;
	s7 =	sadd.s32 $0x147A00, s8  }
0xb: {  	s10 =	simm.s32 $0x1;
	s8 =	sadd.s32 $0x13DA00, s31;
	s9 =	sadd.s32 $0x142A00, s31  }
.LBB2_1:
0xc: {  	s15 =	sadd.s32 $0x0, s9  }
0xd: {  	[tilespmem:s2], [sflag:$0x1] =	stream.linear.gather [hbm4b:s15+s2], $0x80, $0x38;
	[tilespmem:$0x10100] =	vst v63  }
0xe: {  	_ =	swait.ge [sflag:s10], $0x80  }
0xf: {  	[sflag:s10] =	ssyncset.done $0x0  }
0x10: {  	s31 =	sadd.s32 $0x0, s8;
	[sflag:s10] =	ssyncadd.s32 $0xFFFFFF80  }
0x11: {  	[tilespmem:s11], [sflag:$0x1] =	stream.linear.gather [hbm4b:s31+s2], $0x80, $0x38;
	[tilespmem:$0x10100] =	vst v63  }
0x12: {  	_ =	swait.ge [sflag:s10], $0x80  }
0x13: {  	[sflag:s10] =	ssyncset.done $0x0  }
0x14: {  	[sflag:s10] =	ssyncadd.s32 $0xFFFFFF80  }
0x15: {  	[tilespmem:s12], [sflag:$0x1] =	stream.indirect.gather [hbm4b:s3+s11], $0x100, s2, s11, $0xb8;
	[tilespmem:$0x10100] =	vst v63  }
0x16: {  	_ =	swait.ge [sflag:s10], $0x8000  }
0x17: {  	[sflag:s10] =	ssyncset.done $0x0  }
0x18: {  	[sflag:s10] =	ssyncadd.s32 $0xFFFF8000  }
0x19: {  	[tilespmem:s13], [sflag:$0x1] =	stream.indirect.gather [hbm4b:s4+s11], $0x100, s11, s11, $0xb8;
	[tilespmem:$0x10100] =	vst v63  }
0x1a: {  	_ =	swait.ge [sflag:s10], $0x8000  }
0x1b: {  	[sflag:s10] =	ssyncset.done $0x0  }
0x1c: {  	[sflag:s10] =	ssyncadd.s32 $0xFFFF8000  }
0x1d: {  	[hbm4b:s7+s2] =	stream.linear.scatter [tilespmem:s12], [sflag:$0x1], $0x8000, $0x38;
	[tilespmem:$0x10100] =	vst v63  }
0x1e: {  	_ =	swait.ge [sflag:s10], $0x8000  }
0x1f: {  	[sflag:s10] =	ssyncset.done $0x0  }
0x20: {  	[sflag:s10] =	ssyncadd.s32 $0xFFFF8000  }
0x21: {  	[hbm4b:s5+s2] =	stream.linear.scatter [tilespmem:s13], [sflag:$0x1], $0x8000, $0x38;
	[tilespmem:$0x10100] =	vst v63  }
0x22: {  	s17 =	simm.s32 $0x10;
	s18 =	simm.s32 $0x20;
	_ =	swait.ge [sflag:s10], $0x8000  }
0x23: {  	s16 =	sadd.s32 $0x1000, s7;
	s15 =	sadd.s32 $0x1000, s5;
	[sflag:s10] =	ssyncset.done $0x0  }
.LBB2_2:
0x24: {  	s19 =	sadd.s32 s17, s9  }
0x25: {  	[sflag:s10] =	ssyncadd.s32 $0xFFFF8000;
	s20 =	smov.u32 s18;
	s21 =	sadd.s32 $0x10, s18  }
0x26: {  	[tilespmem:s2], [sflag:$0x1] =	stream.linear.gather [hbm4b:s19+s2], $0x80, $0x38;
	[tilespmem:$0x10100] =	vst v63  }
0x27: {  	p0 =	sne.s32 s18, $0x270;
	_ =	swait.ge [sflag:s10], $0x80  }
0x28: {  	[sflag:s10] =	ssyncset.done $0x0  }
0x29: {  	s18 =	sadd.s32 s17, s8;
	s17 =	smov.u32 s20;
	[sflag:s10] =	ssyncadd.s32 $0xFFFFFF80  }
0x2a: {  	[tilespmem:s11], [sflag:$0x1] =	stream.linear.gather [hbm4b:s18+s2], $0x80, $0x38;
	[tilespmem:$0x10100] =	vst v63  }
0x2b: {  	_ =	swait.ge [sflag:s10], $0x80  }
0x2c: {  	[sflag:s10] =	ssyncset.done $0x0  }
0x2d: {  	[sflag:s10] =	ssyncadd.s32 $0xFFFFFF80  }
0x2e: {  	[tilespmem:s12], [sflag:$0x1] =	stream.indirect.gather [hbm4b:s3+s11], $0x100, s2, s11, $0xb8;
	[tilespmem:$0x10100] =	vst v63  }
0x2f: {  	_ =	swait.ge [sflag:s10], $0x8000  }
0x30: {  	[sflag:s10] =	ssyncset.done $0x0  }
0x31: {  	[sflag:s10] =	ssyncadd.s32 $0xFFFF8000  }
0x32: {  	[tilespmem:s13], [sflag:$0x1] =	stream.indirect.gather [hbm4b:s4+s11], $0x100, s11, s11, $0xb8;
	[tilespmem:$0x10100] =	vst v63  }
0x33: {  	_ =	swait.ge [sflag:s10], $0x8000  }
0x34: {  	[sflag:s10] =	ssyncset.done $0x0  }
0x35: {  	[sflag:s10] =	ssyncadd.s32 $0xFFFF8000  }
0x36: {  	[hbm4b:s16+s2] =	stream.linear.scatter [tilespmem:s12], [sflag:$0x1], $0x8000, $0x38;
	[tilespmem:$0x10100] =	vst v63  }
0x37: {  	_ =	swait.ge [sflag:s10], $0x8000  }
.Ltmp0:
0x38: {  	[sflag:s10] =	ssyncset.done $0x0;
	(pc) =	sbr.rel @p0 .LBB2_2-.Ltmp0, $4  }
0x39: {  	[sflag:s10] =	ssyncadd.s32 $0xFFFF8000  }
0x3a: {  	[hbm4b:s15+s2] =	stream.linear.scatter [tilespmem:s13], [sflag:$0x1], $0x8000, $0x38;
	[tilespmem:$0x10100] =	vst v63  }
0x3b: {  	s18 =	smov.u32 s21;
	_ =	swait.ge [sflag:s10], $0x8000  }
0x3c: {  	s16 =	sadd.s32 $0x1000, s16;
	s15 =	sadd.s32 $0x1000, s15;
	[sflag:s10] =	ssyncset.done $0x0  }
0x3d: {  	s18 =	sadd.s32 s17, s9;
	[sflag:s10] =	ssyncadd.s32 $0xFFFF8000  }
0x3e: {  	[tilespmem:s2], [sflag:$0x1] =	stream.linear.gather [hbm4b:s18+s2], $0x80, $0x38;
	[tilespmem:$0x10100] =	vst v63  }
0x3f: {  	_ =	swait.ge [sflag:s10], $0x80  }
0x40: {  	[sflag:s10] =	ssyncset.done $0x0  }
0x41: {  	s31 =	sadd.s32 s17, s8;
	[sflag:s10] =	ssyncadd.s32 $0xFFFFFF80  }
0x42: {  	[tilespmem:s11], [sflag:$0x1] =	stream.linear.gather [hbm4b:s31+s2], $0x80, $0x38;
	[tilespmem:$0x10100] =	vst v63  }
0x43: {  	_ =	swait.ge [sflag:s10], $0x80  }
0x44: {  	[sflag:s10] =	ssyncset.done $0x0  }
0x45: {  	[sflag:s10] =	ssyncadd.s32 $0xFFFFFF80  }
0x46: {  	[tilespmem:s12], [sflag:$0x1] =	stream.indirect.gather [hbm4b:s3+s11], $0x100, s2, s11, $0xb8;
	[tilespmem:$0x10100] =	vst v63  }
0x47: {  	_ =	swait.ge [sflag:s10], $0x8000  }
0x48: {  	[sflag:s10] =	ssyncset.done $0x0  }
0x49: {  	[sflag:s10] =	ssyncadd.s32 $0xFFFF8000  }
0x4a: {  	[tilespmem:s13], [sflag:$0x1] =	stream.indirect.gather [hbm4b:s4+s11], $0x100, s11, s11, $0xb8;
	[tilespmem:$0x10100] =	vst v63  }
0x4b: {  	_ =	swait.ge [sflag:s10], $0x8000  }
0x4c: {  	[sflag:s10] =	ssyncset.done $0x0  }
0x4d: {  	[sflag:s10] =	ssyncadd.s32 $0xFFFF8000  }
0x4e: {  	[hbm4b:s16+s2] =	stream.linear.scatter [tilespmem:s12], [sflag:$0x1], $0x8000, $0x38;
	[tilespmem:$0x10100] =	vst v63  }
0x4f: {  	s14 =	sadd.s32 $0x1, s14;
	_ =	swait.ge [sflag:s10], $0x8000  }
0x50: {  	p0 =	sne.s32 s14, s6;
	[sflag:s10] =	ssyncset.done $0x0  }
.Ltmp1:
0x51: {  	[sflag:s10] =	ssyncadd.s32 $0xFFFF8000;
	(pc) =	sbr.rel @p0 .LBB2_1-.Ltmp1, $4  }
0x52: {  	[hbm4b:s15+s2] =	stream.linear.scatter [tilespmem:s13], [sflag:$0x1], $0x8000, $0x38;
	[tilespmem:$0x10100] =	vst v63  }
0x53: {  	_ =	swait.ge [sflag:s10], $0x8000  }
0x54: {  	[sflag:s10] =	ssyncset.done $0x0  }
0x55: {  	[sflag:s10] =	ssyncadd.s32 $0xFFFF8000  }
0x56: {  	_ =	sfence.sel $0x180000  }
0x57: {  	[bflag:$0x0] =	sbarrier.arrive $0xFFFF  }
0x58: {  	p0 =	sne.s32 s1, $0x0;
	_ =	strace $0x90000047  }
0x59: {  	s0 =	sadd.s32 @!p0 $0x100000, s0;
	[bflag:$0x2] =	sbarrier.arrive $0xFFFF  }
0x5a: {  	[sflag:s0] =	ssyncadd.tile.s32 @!p0 $0x1;
	_ =	shalt  }
.Lfunc_end2:
_tile_overlayer_lowered:
.L_overlay_start_2:
0x5b: {  	(tag) =	ssettag $0x2  }
0x5c: {  	s0 =	rddreg [dreg:$0x0];
	s2 =	stileid.u32  }
0x5d: {  	s1 =	rddreg [dreg:$0x1];
	p0 =	sne.s32 s2, $0x0  }
0x5e: {  	s3 =	rddreg [dreg:$0x2];
	[bflag:$0x3] =	sbarrier.arrive $0xFFFF;
	s2 =	simm.s32 @!p0 $0x1C01  }
0x5f: {  	[timem:s3], [sflag:s2] =	dma.local @!p0 [hbm:s0], s1  }
0x60: {  	s0 =	simm.s32 @!p0 $0x1  }
0x61: {  	_ =	swait.ge @!p0 [sflag:s0], s1  }
0x62: {  	s1 =	ssub.s32 @!p0 $0x0, s1;
	[sflag:s0] =	ssyncset.done @!p0 $0x0  }
0x63: {  	[sflag:s0] =	ssyncadd.s32 @!p0 s1  }
0x64: {  	[bflag:$0x3] =	sbarrier.arrive $0xFFFF  }
0x65: {  	_ =	shalt  }

// kernel: kernel.18.cloned.1.call-start
scs
__scs_entry_jumppad:
0x0: {  	(pc) =	sbr.rel $0x88, $3  }
0x1: {  	(tag) =	ssettag $0x0;
	lr =	simm.s32 $0x1  }
0x2: {  	[smem:$0x3F8C] =	sst lr;
	_ =	strace $0xD0000000  }
0x3: {  	_ = 	snop  }
0x4: {  	_ = 	snop  }
0x5: {  	_ = 	snop  }
0x6: {  	_ = 	snop  }
0x7: {  	_ = 	snop  }
__scs_overlays_trampoline_lowered:
0x8: {  	[smem:$0x3F9B] =	sst s0  }
0x9: {  	[smem:$0x3F9C] =	sst s1  }
0xa: {  	[smem:$0x3F9D] =	sst s2  }
0xb: {  	[smem:$0x3F9E] =	sst s3  }
0xc: {  	[smem:$0x3F9F] =	sst s4  }
0xd: {  	[smem:$0x3FA0] =	sst s5  }
0xe: {  	[smem:$0x3FA1] =	sst s6  }
0xf: {  	[smem:$0x3FA2] =	sst s7  }
0x10: {  	[smem:$0x3FA3] =	sst s8  }
0x11: {  	[smem:$0x3FA4] =	sst s9;
	s0 =	simm.s32 @!p0 $0x0  }
0x12: {  	s1 =	sld [smem:$0x3F8A];
	s0 =	simm.s32 @p0 $0x1  }
0x13: {  	[smem:$0x3FA5] =	sst s0;
	s0 =	simm.s32 @!p1 $0x0  }
0x14: {  	s2 =	sld [smem:$0x3F89];
	s0 =	simm.s32 @p1 $0x1  }
0x15: {  	[smem:$0x3FA6] =	sst s0;
	s0 =	simm.s32 @!p2 $0x0  }
0x16: {  	s3 =	sld [smem:$0x3FDB];
	s0 =	simm.s32 @p2 $0x1  }
0x17: {  	s4 =	simm.s32 $0x1BF5;
	[smem:$0x3FA8] =	sst s0  }
0x18: {  	s0 =	sld [smem:$0x3F8B];
	_ =	swait.ge [sflag:s4], $0x0  }
0x19: {  	s7 =	sld [smem:$0x3F8C]  }
0x1a: {  	s8 =	sadd.s32 $0xFFFFE003, lr  }
0x1b: {  	s9 =	sadd.s32 $0xFFFFFEF7, lr;
	s5 =	simm.s32 $0xFFFFFFFF;
	p2 =	slt.u32 s8, $0xFFFFF086  }
0x1c: {  	p1 =	slt.u32 s9, $0xF7A;
	s5 =	simm.s32 @!p2 $0x0  }
0x1d: {  	s5 =	simm.s32 @p1 $0x1;
	p0 =	seq.s32 s7, s2  }
0x1e: {  	s7 =	smul.u32 @!p0 $0xF7A, s2;
	p2 =	seq.s32 @!p0 s5, $0x0  }
0x1f: {  	s9 =	smul.u32 $0xF7A, s1;
	s8 =	simm.s32 @!p0 $0x1BF5;
	p2 =	por !p2, p0  }
0x20: {  	[sflag:s8] =	ssyncset.s32 @!p0 $0xFFFFF086;
	s6 =	sadd.s32 @!p0 s3, s7;
	s7 =	simm.s32 @!p0 $0x108  }
0x21: {  	s3 =	sadd.s32 s3, s9;
	s6 =	sadd.s32 @!p0 $0x88, s6;
	s7 =	simm.s32 @p2 $0x1082  }
0x22: {  	[simem:s7], [sflag:s8] =	dma.local @!p0 [hbm:s6], $0xF7A  }
0x23: {  	s9 =	sor.u32 $0xD0000000, s2;
	s6 =	simm.s32 $0x108;
	_ =	swait.ge @!p0 [sflag:s8], $0x0  }
0x24: {  	s3 =	sadd.s32 $0x88, s3;
	s6 =	simm.s32 @!p1 $0x1082;
	[sflag:s4] =	ssyncset.s32 $0xFFFFF086  }
0x25: {  	[simem:s6], [sflag:s4] =	dma.local [hbm:s3], $0xF7A  }
0x26: {  	[smem:$0x3F8C] =	sst s1;
	(tag) =	ssettag s2;
	_ =	strace s9  }
0x27: {  	s1 =	sld [smem:$0x3F9C]  }
0x28: {  	s2 =	sld [smem:$0x3F9D]  }
0x29: {  	s4 =	sld [smem:$0x3F9F]  }
0x2a: {  	p0 =	seq.s32 s5, $0x0;
	s5 =	sld [smem:$0x3FA0]  }
0x2b: {  	s6 =	sld [smem:$0x3FA1]  }
0x2c: {  	s7 =	sld [smem:$0x3FA2]  }
0x2d: {  	s3 =	simm.s32 $0x108;
	s8 =	sld [smem:$0x3FA3]  }
0x2e: {  	s3 =	simm.s32 @!p0 $0x1082;
	s9 =	sld [smem:$0x3FA4]  }
0x2f: {  	lr =	sadd.s32 s0, s3;
	s0 =	sld [smem:$0x3F9B]  }
0x30: {  	s3 =	sld [smem:$0x3F9E]  }
0x31: {  	[smem:$0x3FA7] =	sst s10  }
0x32: {  	s10 =	sld [smem:$0x3FA5];
	_ =	sdelay $0x3  }
0x33: {  	p0 =	seq.s32 s10, $0x1;
	s10 =	sld [smem:$0x3FA7];
	_ =	sdelay $0x3  }
0x34: {  	[smem:$0x3FA7] =	sst s10  }
0x35: {  	s10 =	sld [smem:$0x3FA6];
	_ =	sdelay $0x3  }
0x36: {  	p1 =	seq.s32 s10, $0x1;
	s10 =	sld [smem:$0x3FA7];
	_ =	sdelay $0x3  }
0x37: {  	[smem:$0x3FA7] =	sst s10  }
0x38: {  	s10 =	sld [smem:$0x3FA8]  }
0x39: {  	_ = 	snop;
	(pc) =	sbr.ind lr, $3  }
0x3a: {  	_ = 	snop  }
0x3b: {  	_ = 	snop  }
0x3c: {  	p2 =	seq.s32 s10, $0x1;
	s10 =	sld [smem:$0x3FA7]  }
0x3d: {  	_ =	shalt  }
0x3e: {  	_ =	shalt  }
0x3f: {  	_ =	shalt  }
0x40: {  	_ =	shalt  }
0x41: {  	_ =	shalt  }
0x42: {  	_ =	shalt  }
0x43: {  	_ =	shalt  }
0x44: {  	_ =	shalt  }
0x45: {  	_ =	shalt  }
0x46: {  	_ =	shalt  }
0x47: {  	_ =	shalt  }
0x48: {  	_ =	shalt  }
0x49: {  	_ =	shalt  }
0x4a: {  	_ =	shalt  }
0x4b: {  	_ =	shalt  }
0x4c: {  	_ =	shalt  }
0x4d: {  	_ =	shalt  }
0x4e: {  	_ =	shalt  }
0x4f: {  	_ =	shalt  }
0x50: {  	_ =	shalt  }
0x51: {  	_ =	shalt  }
0x52: {  	_ =	shalt  }
0x53: {  	_ =	shalt  }
0x54: {  	_ =	shalt  }
0x55: {  	_ =	shalt  }
0x56: {  	_ =	shalt  }
0x57: {  	_ =	shalt  }
0x58: {  	_ =	shalt  }
0x59: {  	_ =	shalt  }
0x5a: {  	_ =	shalt  }
0x5b: {  	_ =	shalt  }
0x5c: {  	_ =	shalt  }
0x5d: {  	_ =	shalt  }
0x5e: {  	_ =	shalt  }
0x5f: {  	_ =	shalt  }
0x60: {  	_ =	shalt  }
0x61: {  	_ =	shalt  }
0x62: {  	_ =	shalt  }
0x63: {  	_ =	shalt  }
0x64: {  	_ =	shalt  }
0x65: {  	_ =	shalt  }
0x66: {  	_ =	shalt  }
0x67: {  	_ =	shalt  }
0x68: {  	_ =	shalt  }
0x69: {  	_ =	shalt  }
0x6a: {  	_ =	shalt  }
0x6b: {  	_ =	shalt  }
0x6c: {  	_ =	shalt  }
0x6d: {  	_ =	shalt  }
0x6e: {  	_ =	shalt  }
0x6f: {  	_ =	shalt  }
0x70: {  	_ =	shalt  }
0x71: {  	_ =	shalt  }
0x72: {  	_ =	shalt  }
0x73: {  	_ =	shalt  }
0x74: {  	_ =	shalt  }
0x75: {  	_ =	shalt  }
0x76: {  	_ =	shalt  }
0x77: {  	_ =	shalt  }
0x78: {  	_ =	shalt  }
0x79: {  	_ =	shalt  }
0x7a: {  	_ =	shalt  }
0x7b: {  	_ =	shalt  }
0x7c: {  	_ =	shalt  }
0x7d: {  	_ =	shalt  }
0x7e: {  	_ =	shalt  }
0x7f: {  	_ =	shalt  }
0x80: {  	_ =	shalt  }
0x81: {  	_ =	shalt  }
0x82: {  	_ =	shalt  }
0x83: {  	_ =	shalt  }
0x84: {  	_ =	shalt  }
0x85: {  	_ =	shalt  }
0x86: {  	_ =	shalt  }
0x87: {  	_ =	shalt  }
.Lfunc_end0:
.L_simem_size_0:
called_computation.2_lowered:
.L_overlay_start_0:
0x88: {  	s2 =	sld [smem:$0x3FD9]  }
0x89: {  	s3 =	sld [smem:$0x3FFE];
	_ =	sdelay $0x1  }
0x8a: {  	s1 =	srdreg.scid  }
0x8b: {  	s0 =	sand.u32 $0x1, s1  }
0x8c: {  	s17 =	sshll.u32 s0, $0xA;
	s2 =	sadd.s32 s3, s2  }
0x8d: {  	s2 =	sadd.s32 s2, s17  }
0x8e: {  	[smem:$0x3FB3] =	sst s2  }
0x8f: {  	_ = 	snop  }
0x90: {  	(tm) =	ssettm $0x1  }
0x91: {  	s18 =	sld [smem:$0x3FFB];
	_ =	sdelay $0x3  }
0x92: {  	_ =	strace s18  }
0x93: {  	s2 =	sld [smem:$0x3FFC];
	_ =	sdelay $0x3  }
0x94: {  	_ =	strace s2  }
0x95: {  	s2 =	sld [smem:$0x3FFD];
	_ =	sdelay $0x3  }
0x96: {  	_ =	strace s2  }
0x97: {  	_ =	strace $0x8FFFFFFF  }
0x98: {  	s19 =	sld [smem:$0x3FDB];
	_ =	sdelay $0x1  }
0x99: {  	s20 =	simm.s32 $_scs_section_size  }
0x9a: {  	s4 =	simm.s32 $_size__tile_overlayer_lowered;
	s5 =	simm.s32 $_tile_overlayer_lowered  }
0x9b: {  	s6 =	simm.s32 $0x1BFF;
	s21 =	sshll.u32 s5, $0x1;
	s3 =	sadd.s32 s20, s19  }
0x9c: {  	s22 =	simm.s32 $0x0;
	s4 =	sshll.u32 s4, $0x1;
	s5 =	sadd.s32 s21, s3  }
0x9d: {  	[timem:s22], [sflag:s6] =	dma.local [hbm:s5], s4  }
0x9e: {  	_ =	swait.ge [sflag:s6], s4  }
0x9f: {  	s4 =	ssub.s32 $0x0, s4;
	[sflag:s6] =	ssyncset.done $0x0  }
0xa0: {  	[sflag:s6] =	ssyncadd.s32 s4;
	_ =	sdelay $0x1  }
0xa1: {  	s23 =	simm.s32 $0x1B8B  }
0xa2: {  	_ =	swait.ge [sflag:s23], $0x1  }
0xa3: {  	[sflag:s23] =	ssyncset.done $0x0  }
0xa4: {  	[sflag:s23] =	ssyncadd.s32 $0xFFFFFFFF  }
0xa5: {  	s4 =	sld [smem:$0x0]  }
0xa6: {  	s5 =	sand.u32 $0xFFFFFFFE, s1  }
0xa7: {  	p0 =	sne.s32 s1, s5  }
0xa8: {  	s5 =	sshll.u32 @p0 s5, $0xE  }
0xa9: {  	s5 =	sadd.s32 @p0 $0x11B8D, s5;
	s6 =	sshll.u32 @p0 s4, $0x11  }
0xaa: {  	s5 =	sor.u32 @p0 s6, s5  }
0xab: {  	[sflag:s5] =	ssyncadd.remote.s32 @p0 $0x1;
	_ =	sdelay $0x1  }
0xac: {  	s5 =	simm.s32 @p0 $0x1B8D  }
0xad: {  	_ =	swait.eq @p0 [sflag:s5], $0x1  }
0xae: {  	[sflag:s5] =	ssyncadd.s32 @p0 $0xFFFFFFFF  }
0xaf: {  	s6 =	sshll.u32 @!p0 s1, $0xE  }
0xb0: {  	s6 =	sor.u32 @!p0 $0x4000, s6;
	s5 =	simm.s32 @!p0 $0x1B8D  }
0xb1: {  	s4 =	sshll.u32 @!p0 s4, $0x11;
	s6 =	sadd.s32 @!p0 $0x11B8D, s6;
	_ =	swait.eq @!p0 [sflag:s5], $0x1  }
0xb2: {  	s4 =	sor.u32 @!p0 s4, s6;
	[sflag:s5] =	ssyncadd.s32 @!p0 $0xFFFFFFFF  }
0xb3: {  	s25 =	simm.s32 $0x1B8E;
	s24 =	sld [smem:$0x3FFE];
	[sflag:s4] =	ssyncadd.remote.s32 @!p0 $0x1  }
0xb4: {  	s26 =	simm.s32 $execute0_lowered;
	[smem:$0x3FD2] =	sst s25  }
0xb5: {  	s5 =	sshll.u32 s26, $0x1;
	_ =	strace $0x8000004C;
	[dreg:$0x1] =	wrdreg $0xFFFFFFFF  }
0xb6: {  	s28 =	simm.s32 $_size_execute0_lowered;
	s3 =	sadd.s32 s3, s5;
	[dreg:$0x0] =	wrdreg $0x0  }
0xb7: {  	s5 =	sshll.u32 s28, $0x1;
	[dreg:$0x2] =	wrdreg s3  }
0xb8: {  	[dreg:$0x3] =	wrdreg s5  }
0xb9: {  	[dreg:$0x4] =	wrdreg $0xC0  }
0xba: {  	_ =	task [dreg:s22], $0x5FFFF  }
0xbb: {  	[dreg:$0x1] =	wrdreg $0xFFFFFFFF  }
0xbc: {  	[dreg:$0x0] =	wrdreg $0x60  }
0xbd: {  	[dreg:$0x2] =	wrdreg s24  }
0xbe: {  	[dreg:$0x3] =	wrdreg $0x8800  }
0xbf: {  	[dreg:$0x4] =	wrdreg $0xA  }
0xc0: {  	_ =	task.clear_ibuf [dreg:s22], $0x5FFFF;
	_ =	strace $0x9000004C  }
0xc1: {  	s29 =	simm.s32 $0xA;
	_ =	strace $0x8000004E  }
0xc2: {  	_ =	swait.ge [sflag:s29], $0x1  }
0xc3: {  	[sflag:s29] =	ssyncadd.s32 $0xFFFFFFFF  }
0xc4: {  	_ =	strace $0x9000004E  }
0xc5: {  	_ =	sfence  }
0xc6: {  	s30 =	sld [smem:$0x0];
	_ =	sdelay $0x2  }
0xc7: {  	s31 =	sshll.u32 s1, $0xD;
	s1 =	sshrl.u32 s1, $0x2  }
0xc8: {  	s4 =	sand.u32 $0x4000, s31;
	s1 =	sadd.s32 s1, s30  }
0xc9: {  	s0 =	sor.u32 s4, s0;
	s1 =	sshll.u32 s1, $0x11  }
0xca: {  	s0 =	sor.u32 s1, s0  }
0xcb: {  	s0 =	sadd.s32 $0x8F2B, s0  }
0xcc: {  	[sflag:s0] =	ssyncadd.remote.s32 $0x1  }
0xcd: {  	_ =	sfence.sel $0xFFFF  }
0xce: {  	[dreg:$0x0] =	wrdreg $0xFFFFFFFF;
	(pc) =	sbr.abs _section_cstart, $3  }
0xcf: {  	[dreg:$0x1] =	wrdreg $0xFFFFFFFF  }
0xd0: {  	_ =	task.clear_ibuf [dreg:s22], $0x2FFFF;
	_ =	strace $0x9FFFFFFF  }
0xd1: {  	(tm) =	ssettm $0x7FFFFFFF  }
tec
execute0_lowered:
.L_overlay_start_1:
0x0: {  	(tag) =	ssettag $0x1  }
0x1: {  	s0 =	srdreg.scid  }
0x2: {  	s4 =	sand.u32 $0x1, s0  }
0x3: {  	s5 =	rddreg [dreg:$0x0];
	s6 =	smul.u32 $0x28000, s4  }
0x4: {  	s0 =	stileid.u32;
	s7 =	smul.u32 $0x14000, s4  }
0x5: {  	s2 =	rddreg [dreg:$0x1];
	s8 =	smul.u32 $0x1400, s0  }
0x6: {  	s1 =	rddreg [dreg:$0x2];
	s3 =	simm.s32 $0x0;
	s9 =	smul.u32 $0x2780, s0  }
0x7: {  	[smem:$0x7FF] =	sst s3;
	s24 =	smul.u32 $0x27800, s4  }
0x8: {  	_ =	strace $0x8000004D;
	s4 =	ssub.s32 $0x2, s4;
	s30 =	sshll.u32 s0, $0x6  }
0x9: {  	s12 =	smul.u32 $0x2800, s0;
	s28 =	sshrl.u32 s4, $0x1;
	s7 =	sadd.s32 s8, s7  }
0xa: {  	s10 =	sadd.s32 s6, s5;
	s25 =	sadd.s32 s9, s24;
	s26 =	sshrl.u32 s9, $0x3  }
0xb: {  	s29 =	ssub.s32 s4, s28;
	s13 =	sadd.s32 s9, s2;
	s7 =	sshrl.u32 s7, $0x3  }
0xc: {  	s6 =	sshrl.u32 s25, $0x3;
	s31 =	sadd.s32 s12, s10;
	s10 =	sshrl.u32 s13, $0x3  }
0xd: {  	s12 =	simm.s32 $0x80;
	s13 =	simm.s32 $0x0;
	s11 =	sadd.s32 s7, s5  }
0xe: {  	s7 =	sadd.s32 s26, s5;
	s6 =	sadd.s32 s6, s5;
	s5 =	sor.u32 $0x1C01, s30  }
0xf: {  	s8 =	sadd.s32 $0xA1400, s31;
	s4 =	sadd.s32 $0xB97A00, s7;
	s6 =	sadd.s32 $0xF1400, s6  }
0x10: {  	s7 =	smax.u32 s29, $0x1;
	s9 =	sadd.s32 $0x13DA00, s11;
	s11 =	simm.s32 $0x1  }
.LBB2_1:
0x11: {  	[spmem:s10], [sflag:s5] =	dma.local [hbm:s4], $0x4F0  }
0x12: {  	_ =	swait.ge [sflag:s11], $0x4F0  }
0x13: {  	[sflag:s11] =	ssyncset.done $0x0  }
0x14: {  	[sflag:s11] =	ssyncadd.s32 $0xFFFFFB10  }
0x15: {  	s14 =	sadd.s32 $0x0, s9;
	[bflag:$0x0] =	sbarrier.arrive $0xFFFF  }
0x16: {  	[tilespmem:s3], [sflag:$0x1] =	stream.linear.gather [hbm4b:s14+s3], $0x80, $0x38;
	[tilespmem:$0x3000] =	vst v63  }
0x17: {  	_ =	swait.ge [sflag:s11], $0x80  }
0x18: {  	[sflag:s11] =	ssyncset.done $0x0  }
0x19: {  	[sflag:s11] =	ssyncadd.s32 $0xFFFFFF80  }
0x1a: {  	[tilespmem:s12], [sflag:$0x1] =	stream.linear.gather [hbm4b:s8+s3], $0x800, $0x38;
	[tilespmem:$0x3000] =	vst v63  }
0x1b: {  	_ =	swait.ge [sflag:s11], $0x800  }
0x1c: {  	[sflag:s11] =	ssyncset.done $0x0  }
0x1d: {  	[sflag:s11] =	ssyncadd.s32 $0xFFFFF800  }
0x1e: {  	[spmem:s2] =	stream.indirect.scatter.add.f32 [tilespmem:s12], [sflag:$0x1], $0x10, s3, s12, $0xb8;
	[tilespmem:$0x3000] =	vst v63  }
0x1f: {  	s15 =	simm.s32 $0x10;
	_ =	swait.ge [sflag:s11], $0x800  }
0x20: {  	s16 =	simm.s32 $0x20;
	s14 =	sadd.s32 $0x100, s8;
	[sflag:s11] =	ssyncset.done $0x0  }
.LBB2_2:
0x21: {  	s17 =	sadd.s32 s15, s9  }
0x22: {  	[sflag:s11] =	ssyncadd.s32 $0xFFFFF800;
	s15 =	smov.u32 s16;
	s18 =	sadd.s32 $0x10, s16  }
0x23: {  	[tilespmem:s3], [sflag:$0x1] =	stream.linear.gather [hbm4b:s17+s3], $0x80, $0x38;
	[tilespmem:$0x3000] =	vst v63  }
0x24: {  	p0 =	sne.s32 s16, $0x270;
	_ =	swait.ge [sflag:s11], $0x80  }
0x25: {  	[sflag:s11] =	ssyncset.done $0x0  }
0x26: {  	[sflag:s11] =	ssyncadd.s32 $0xFFFFFF80  }
0x27: {  	[tilespmem:s12], [sflag:$0x1] =	stream.linear.gather [hbm4b:s14+s3], $0x800, $0x38;
	[tilespmem:$0x3000] =	vst v63  }
0x28: {  	_ =	swait.ge [sflag:s11], $0x800  }
.Ltmp0:
0x29: {  	[sflag:s11] =	ssyncset.done $0x0;
	(pc) =	sbr.rel @p0 .LBB2_2-.Ltmp0, $4  }
0x2a: {  	[sflag:s11] =	ssyncadd.s32 $0xFFFFF800  }
0x2b: {  	[spmem:s2] =	stream.indirect.scatter.add.f32 [tilespmem:s12], [sflag:$0x1], $0x10, s3, s12, $0xb8;
	[tilespmem:$0x3000] =	vst v63  }
0x2c: {  	_ =	swait.ge [sflag:s11], $0x800  }
0x2d: {  	s16 =	smov.u32 s18;
	s14 =	sadd.s32 $0x100, s14;
	[sflag:s11] =	ssyncset.done $0x0  }
0x2e: {  	s15 =	sadd.s32 s15, s9;
	[sflag:s11] =	ssyncadd.s32 $0xFFFFF800  }
0x2f: {  	[tilespmem:s3], [sflag:$0x1] =	stream.linear.gather [hbm4b:s15+s3], $0x80, $0x38;
	[tilespmem:$0x3000] =	vst v63  }
0x30: {  	_ =	swait.ge [sflag:s11], $0x80  }
0x31: {  	[sflag:s11] =	ssyncset.done $0x0  }
0x32: {  	[sflag:s11] =	ssyncadd.s32 $0xFFFFFF80  }
0x33: {  	[tilespmem:s12], [sflag:$0x1] =	stream.linear.gather [hbm4b:s14+s3], $0x800, $0x38;
	[tilespmem:$0x3000] =	vst v63  }
0x34: {  	_ =	swait.ge [sflag:s11], $0x800  }
0x35: {  	[sflag:s11] =	ssyncset.done $0x0  }
0x36: {  	[sflag:s11] =	ssyncadd.s32 $0xFFFFF800  }
0x37: {  	[spmem:s2] =	stream.indirect.scatter.add.f32 [tilespmem:s12], [sflag:$0x1], $0x10, s3, s12, $0xb8;
	[tilespmem:$0x3000] =	vst v63  }
0x38: {  	_ =	swait.ge [sflag:s11], $0x800  }
0x39: {  	s13 =	sadd.s32 $0x1, s13;
	[sflag:s11] =	ssyncset.done $0x0  }
0x3a: {  	p0 =	sne.s32 s13, s7;
	[sflag:s11] =	ssyncadd.s32 $0xFFFFF800  }
.Ltmp1:
0x3b: {  	[bflag:$0x0] =	sbarrier.arrive $0xFFFF;
	(pc) =	sbr.rel @p0 .LBB2_1-.Ltmp1, $4  }
0x3c: {  	[hbm:s6], [sflag:s5] =	dma.local [spmem:s10], $0x4F0  }
0x3d: {  	_ =	swait.ge [sflag:s11], $0x4F0  }
0x3e: {  	[sflag:s11] =	ssyncset.done $0x0  }
0x3f: {  	[sflag:s11] =	ssyncadd.s32 $0xFFFFFB10  }
0x40: {  	_ =	sfence.sel $0x180000  }
0x41: {  	[bflag:$0x0] =	sbarrier.arrive $0xFFFF  }
0x42: {  	p0 =	sne.s32 s0, $0x0;
	_ =	strace $0x9000004D  }
0x43: {  	s0 =	sadd.s32 @!p0 $0x100000, s1;
	[bflag:$0x2] =	sbarrier.arrive $0xFFFF  }
0x44: {  	[sflag:s0] =	ssyncadd.tile.s32 @!p0 $0x1;
	_ =	shalt  }
.Lfunc_end2:
_tile_overlayer_lowered:
.L_overlay_start_2:
0x45: {  	(tag) =	ssettag $0x2  }
0x46: {  	s0 =	rddreg [dreg:$0x0];
	s2 =	stileid.u32  }
0x47: {  	s1 =	rddreg [dreg:$0x1];
	p0 =	sne.s32 s2, $0x0  }
0x48: {  	s3 =	rddreg [dreg:$0x2];
	[bflag:$0x3] =	sbarrier.arrive $0xFFFF;
	s2 =	simm.s32 @!p0 $0x1C01  }
0x49: {  	[timem:s3], [sflag:s2] =	dma.local @!p0 [hbm:s0], s1  }
0x4a: {  	s0 =	simm.s32 @!p0 $0x1  }
0x4b: {  	_ =	swait.ge @!p0 [sflag:s0], s1  }
0x4c: {  	s1 =	ssub.s32 @!p0 $0x0, s1;
	[sflag:s0] =	ssyncset.done @!p0 $0x0  }
0x4d: {  	[sflag:s0] =	ssyncadd.s32 @!p0 s1  }
0x4e: {  	[bflag:$0x3] =	sbarrier.arrive $0xFFFF  }
0x4f: {  	_ =	shalt  }

// kernel: kernel.21.cloned.1.call-start
scs
__scs_entry_jumppad:
0x0: {  	(pc) =	sbr.rel $0x88, $3  }
0x1: {  	(tag) =	ssettag $0x0;
	lr =	simm.s32 $0x1  }
0x2: {  	[smem:$0x3F8C] =	sst lr;
	_ =	strace $0xD0000000  }
0x3: {  	_ = 	snop  }
0x4: {  	_ = 	snop  }
0x5: {  	_ = 	snop  }
0x6: {  	_ = 	snop  }
0x7: {  	_ = 	snop  }
__scs_overlays_trampoline_lowered:
0x8: {  	[smem:$0x3F9B] =	sst s0  }
0x9: {  	[smem:$0x3F9C] =	sst s1  }
0xa: {  	[smem:$0x3F9D] =	sst s2  }
0xb: {  	[smem:$0x3F9E] =	sst s3  }
0xc: {  	[smem:$0x3F9F] =	sst s4  }
0xd: {  	[smem:$0x3FA0] =	sst s5  }
0xe: {  	[smem:$0x3FA1] =	sst s6  }
0xf: {  	[smem:$0x3FA2] =	sst s7  }
0x10: {  	[smem:$0x3FA3] =	sst s8  }
0x11: {  	[smem:$0x3FA4] =	sst s9;
	s0 =	simm.s32 @!p0 $0x0  }
0x12: {  	s1 =	sld [smem:$0x3F8A];
	s0 =	simm.s32 @p0 $0x1  }
0x13: {  	[smem:$0x3FA5] =	sst s0;
	s0 =	simm.s32 @!p1 $0x0  }
0x14: {  	s2 =	sld [smem:$0x3F89];
	s0 =	simm.s32 @p1 $0x1  }
0x15: {  	[smem:$0x3FA6] =	sst s0;
	s0 =	simm.s32 @!p2 $0x0  }
0x16: {  	s3 =	sld [smem:$0x3FDB];
	s0 =	simm.s32 @p2 $0x1  }
0x17: {  	s4 =	simm.s32 $0x1BF5;
	[smem:$0x3FA8] =	sst s0  }
0x18: {  	s0 =	sld [smem:$0x3F8B];
	_ =	swait.ge [sflag:s4], $0x0  }
0x19: {  	s7 =	sld [smem:$0x3F8C]  }
0x1a: {  	s8 =	sadd.s32 $0xFFFFE003, lr  }
0x1b: {  	s9 =	sadd.s32 $0xFFFFFEF7, lr;
	s5 =	simm.s32 $0xFFFFFFFF;
	p2 =	slt.u32 s8, $0xFFFFF086  }
0x1c: {  	p1 =	slt.u32 s9, $0xF7A;
	s5 =	simm.s32 @!p2 $0x0  }
0x1d: {  	s5 =	simm.s32 @p1 $0x1;
	p0 =	seq.s32 s7, s2  }
0x1e: {  	s7 =	smul.u32 @!p0 $0xF7A, s2;
	p2 =	seq.s32 @!p0 s5, $0x0  }
0x1f: {  	s9 =	smul.u32 $0xF7A, s1;
	s8 =	simm.s32 @!p0 $0x1BF5;
	p2 =	por !p2, p0  }
0x20: {  	[sflag:s8] =	ssyncset.s32 @!p0 $0xFFFFF086;
	s6 =	sadd.s32 @!p0 s3, s7;
	s7 =	simm.s32 @!p0 $0x108  }
0x21: {  	s3 =	sadd.s32 s3, s9;
	s6 =	sadd.s32 @!p0 $0x88, s6;
	s7 =	simm.s32 @p2 $0x1082  }
0x22: {  	[simem:s7], [sflag:s8] =	dma.local @!p0 [hbm:s6], $0xF7A  }
0x23: {  	s9 =	sor.u32 $0xD0000000, s2;
	s6 =	simm.s32 $0x108;
	_ =	swait.ge @!p0 [sflag:s8], $0x0  }
0x24: {  	s3 =	sadd.s32 $0x88, s3;
	s6 =	simm.s32 @!p1 $0x1082;
	[sflag:s4] =	ssyncset.s32 $0xFFFFF086  }
0x25: {  	[simem:s6], [sflag:s4] =	dma.local [hbm:s3], $0xF7A  }
0x26: {  	[smem:$0x3F8C] =	sst s1;
	(tag) =	ssettag s2;
	_ =	strace s9  }
0x27: {  	s1 =	sld [smem:$0x3F9C]  }
0x28: {  	s2 =	sld [smem:$0x3F9D]  }
0x29: {  	s4 =	sld [smem:$0x3F9F]  }
0x2a: {  	p0 =	seq.s32 s5, $0x0;
	s5 =	sld [smem:$0x3FA0]  }
0x2b: {  	s6 =	sld [smem:$0x3FA1]  }
0x2c: {  	s7 =	sld [smem:$0x3FA2]  }
0x2d: {  	s3 =	simm.s32 $0x108;
	s8 =	sld [smem:$0x3FA3]  }
0x2e: {  	s3 =	simm.s32 @!p0 $0x1082;
	s9 =	sld [smem:$0x3FA4]  }
0x2f: {  	lr =	sadd.s32 s0, s3;
	s0 =	sld [smem:$0x3F9B]  }
0x30: {  	s3 =	sld [smem:$0x3F9E]  }
0x31: {  	[smem:$0x3FA7] =	sst s10  }
0x32: {  	s10 =	sld [smem:$0x3FA5];
	_ =	sdelay $0x3  }
0x33: {  	p0 =	seq.s32 s10, $0x1;
	s10 =	sld [smem:$0x3FA7];
	_ =	sdelay $0x3  }
0x34: {  	[smem:$0x3FA7] =	sst s10  }
0x35: {  	s10 =	sld [smem:$0x3FA6];
	_ =	sdelay $0x3  }
0x36: {  	p1 =	seq.s32 s10, $0x1;
	s10 =	sld [smem:$0x3FA7];
	_ =	sdelay $0x3  }
0x37: {  	[smem:$0x3FA7] =	sst s10  }
0x38: {  	s10 =	sld [smem:$0x3FA8]  }
0x39: {  	_ = 	snop;
	(pc) =	sbr.ind lr, $3  }
0x3a: {  	_ = 	snop  }
0x3b: {  	_ = 	snop  }
0x3c: {  	p2 =	seq.s32 s10, $0x1;
	s10 =	sld [smem:$0x3FA7]  }
0x3d: {  	_ =	shalt  }
0x3e: {  	_ =	shalt  }
0x3f: {  	_ =	shalt  }
0x40: {  	_ =	shalt  }
0x41: {  	_ =	shalt  }
0x42: {  	_ =	shalt  }
0x43: {  	_ =	shalt  }
0x44: {  	_ =	shalt  }
0x45: {  	_ =	shalt  }
0x46: {  	_ =	shalt  }
0x47: {  	_ =	shalt  }
0x48: {  	_ =	shalt  }
0x49: {  	_ =	shalt  }
0x4a: {  	_ =	shalt  }
0x4b: {  	_ =	shalt  }
0x4c: {  	_ =	shalt  }
0x4d: {  	_ =	shalt  }
0x4e: {  	_ =	shalt  }
0x4f: {  	_ =	shalt  }
0x50: {  	_ =	shalt  }
0x51: {  	_ =	shalt  }
0x52: {  	_ =	shalt  }
0x53: {  	_ =	shalt  }
0x54: {  	_ =	shalt  }
0x55: {  	_ =	shalt  }
0x56: {  	_ =	shalt  }
0x57: {  	_ =	shalt  }
0x58: {  	_ =	shalt  }
0x59: {  	_ =	shalt  }
0x5a: {  	_ =	shalt  }
0x5b: {  	_ =	shalt  }
0x5c: {  	_ =	shalt  }
0x5d: {  	_ =	shalt  }
0x5e: {  	_ =	shalt  }
0x5f: {  	_ =	shalt  }
0x60: {  	_ =	shalt  }
0x61: {  	_ =	shalt  }
0x62: {  	_ =	shalt  }
0x63: {  	_ =	shalt  }
0x64: {  	_ =	shalt  }
0x65: {  	_ =	shalt  }
0x66: {  	_ =	shalt  }
0x67: {  	_ =	shalt  }
0x68: {  	_ =	shalt  }
0x69: {  	_ =	shalt  }
0x6a: {  	_ =	shalt  }
0x6b: {  	_ =	shalt  }
0x6c: {  	_ =	shalt  }
0x6d: {  	_ =	shalt  }
0x6e: {  	_ =	shalt  }
0x6f: {  	_ =	shalt  }
0x70: {  	_ =	shalt  }
0x71: {  	_ =	shalt  }
0x72: {  	_ =	shalt  }
0x73: {  	_ =	shalt  }
0x74: {  	_ =	shalt  }
0x75: {  	_ =	shalt  }
0x76: {  	_ =	shalt  }
0x77: {  	_ =	shalt  }
0x78: {  	_ =	shalt  }
0x79: {  	_ =	shalt  }
0x7a: {  	_ =	shalt  }
0x7b: {  	_ =	shalt  }
0x7c: {  	_ =	shalt  }
0x7d: {  	_ =	shalt  }
0x7e: {  	_ =	shalt  }
0x7f: {  	_ =	shalt  }
0x80: {  	_ =	shalt  }
0x81: {  	_ =	shalt  }
0x82: {  	_ =	shalt  }
0x83: {  	_ =	shalt  }
0x84: {  	_ =	shalt  }
0x85: {  	_ =	shalt  }
0x86: {  	_ =	shalt  }
0x87: {  	_ =	shalt  }
.Lfunc_end0:
.L_simem_size_0:
called_computation.3_lowered:
.L_overlay_start_0:
0x88: {  	s2 =	sld [smem:$0x3FD9]  }
0x89: {  	s3 =	sld [smem:$0x3FFE];
	_ =	sdelay $0x1  }
0x8a: {  	s1 =	srdreg.scid  }
0x8b: {  	s0 =	sand.u32 $0x1, s1  }
0x8c: {  	s16 =	sshll.u32 s0, $0xA;
	s2 =	sadd.s32 s3, s2  }
0x8d: {  	s2 =	sadd.s32 s2, s16  }
0x8e: {  	[smem:$0x3FB3] =	sst s2  }
0x8f: {  	_ = 	snop  }
0x90: {  	(tm) =	ssettm $0x1  }
0x91: {  	s17 =	sld [smem:$0x3FFB];
	_ =	sdelay $0x3  }
0x92: {  	_ =	strace s17  }
0x93: {  	s2 =	sld [smem:$0x3FFC];
	_ =	sdelay $0x3  }
0x94: {  	_ =	strace s2  }
0x95: {  	s2 =	sld [smem:$0x3FFD];
	_ =	sdelay $0x3  }
0x96: {  	_ =	strace s2  }
0x97: {  	_ =	strace $0x8FFFFFFF  }
0x98: {  	s18 =	sld [smem:$0x3FDB];
	_ =	sdelay $0x1  }
0x99: {  	s19 =	simm.s32 $_scs_section_size  }
0x9a: {  	s4 =	simm.s32 $_size__tile_overlayer_lowered;
	s5 =	simm.s32 $_tile_overlayer_lowered  }
0x9b: {  	s22 =	simm.s32 $0x1BFF;
	s21 =	sshll.u32 s5, $0x1;
	s2 =	sadd.s32 s19, s18  }
0x9c: {  	s6 =	simm.s32 $0x0;
	s20 =	sshll.u32 s4, $0x1;
	s4 =	sadd.s32 s21, s2  }
0x9d: {  	[timem:s6], [sflag:s22] =	dma.local [hbm:s4], s20  }
0x9e: {  	_ =	swait.ge [sflag:s22], s20  }
0x9f: {  	s3 =	ssub.s32 $0x0, s20;
	[sflag:s22] =	ssyncset.done $0x0  }
0xa0: {  	[sflag:s22] =	ssyncadd.s32 s3;
	_ =	sdelay $0x1  }
0xa1: {  	s23 =	simm.s32 $0x1B8B  }
0xa2: {  	_ =	swait.ge [sflag:s23], $0x1  }
0xa3: {  	[sflag:s23] =	ssyncset.done $0x0  }
0xa4: {  	s25 =	simm.s32 $0x1B8E;
	s24 =	sld [smem:$0x3FFE];
	[sflag:s23] =	ssyncadd.s32 $0xFFFFFFFF  }
0xa5: {  	s26 =	simm.s32 $execute0_lowered;
	[smem:$0x3FD2] =	sst s25  }
0xa6: {  	s4 =	sshll.u32 s26, $0x1;
	_ =	strace $0x8000004F;
	[dreg:$0x1] =	wrdreg $0xFFFFFFFF  }
0xa7: {  	s28 =	simm.s32 $_size_execute0_lowered;
	s2 =	sadd.s32 s2, s4;
	[dreg:$0x0] =	wrdreg $0x0  }
0xa8: {  	s4 =	sshll.u32 s28, $0x1;
	[dreg:$0x2] =	wrdreg s2  }
0xa9: {  	[dreg:$0x3] =	wrdreg s4  }
0xaa: {  	[dreg:$0x4] =	wrdreg $0xC0  }
0xab: {  	_ =	task [dreg:s6], $0x5FFFF  }
0xac: {  	[dreg:$0x1] =	wrdreg $0xFFFFFFFF  }
0xad: {  	[dreg:$0x0] =	wrdreg $0x60  }
0xae: {  	[dreg:$0x2] =	wrdreg s24  }
0xaf: {  	[dreg:$0x3] =	wrdreg $0x9  }
0xb0: {  	_ =	task.clear_ibuf [dreg:s6], $0x4FFFF;
	_ =	strace $0x9000004F  }
0xb1: {  	s29 =	simm.s32 $0x9;
	_ =	strace $0x80000051  }
0xb2: {  	_ =	swait.ge [sflag:s29], $0x1  }
0xb3: {  	[sflag:s29] =	ssyncadd.s32 $0xFFFFFFFF  }
0xb4: {  	_ =	strace $0x90000051  }
0xb5: {  	_ =	sfence  }
0xb6: {  	s30 =	sld [smem:$0x0];
	_ =	sdelay $0x2  }
0xb7: {  	s31 =	sshll.u32 s1, $0xD;
	s1 =	sshrl.u32 s1, $0x2  }
0xb8: {  	s3 =	sand.u32 $0x4000, s31;
	s1 =	sadd.s32 s1, s30  }
0xb9: {  	s0 =	sor.u32 s3, s0;
	s1 =	sshll.u32 s1, $0x11  }
0xba: {  	s0 =	sor.u32 s1, s0  }
0xbb: {  	s0 =	sadd.s32 $0x8F2B, s0  }
0xbc: {  	[sflag:s0] =	ssyncadd.remote.s32 $0x1  }
0xbd: {  	_ =	sfence.sel $0xFFFF  }
0xbe: {  	[dreg:$0x0] =	wrdreg $0xFFFFFFFF;
	(pc) =	sbr.abs _section_cstart, $3  }
0xbf: {  	[dreg:$0x1] =	wrdreg $0xFFFFFFFF  }
0xc0: {  	_ =	task.clear_ibuf [dreg:s6], $0x2FFFF;
	_ =	strace $0x9FFFFFFF  }
0xc1: {  	(tm) =	ssettm $0x7FFFFFFF  }
tec
execute0_lowered:
.L_overlay_start_1:
0x0: {  	(tag) =	ssettag $0x1  }
0x1: {  	s4 =	rddreg [dreg:$0x0];
	s1 =	srdreg.scid  }
0x2: {  	s0 =	rddreg [dreg:$0x1];
	s5 =	sand.u32 $0x1, s1  }
0x3: {  	s2 =	simm.s32 $0x0;
	s1 =	stileid.u32;
	s6 =	smul.u32 $0x14000, s5  }
0x4: {  	[smem:$0x7FF] =	sst s2;
	s7 =	smul.u32 $0x1400, s1  }
0x5: {  	s3 =	sadd.s32 $0x2C200, s4;
	s8 =	smul.u32 $0x28000, s5;
	s5 =	ssub.s32 $0x2, s5  }
0x6: {  	_ =	strace $0x80000050;
	s29 =	smul.u32 $0x2800, s1;
	s9 =	sshrl.u32 s5, $0x1  }
0x7: {  	s6 =	sadd.s32 s7, s6;
	s8 =	sadd.s32 s8, s4;
	s30 =	ssub.s32 s5, s9  }
0x8: {  	s7 =	simm.s32 $0x1;
	s9 =	simm.s32 $0x0;
	s6 =	sshrl.u32 s6, $0x3  }
0x9: {  	s31 =	sadd.s32 s29, s8;
	s8 =	simm.s32 $0x80;
	s6 =	sadd.s32 s6, s4  }
0xa: {  	s4 =	smax.u32 s30, $0x1;
	s5 =	sadd.s32 $0x31200, s31;
	s6 =	sadd.s32 $0x13DA00, s6  }
.LBB2_1:
0xb: {  	s10 =	sadd.s32 $0x0, s6  }
0xc: {  	[tilespmem:s2], [sflag:$0x1] =	stream.linear.gather [hbm4b:s10+s2], $0x80, $0x38;
	[tilespmem:$0x880] =	vst v63  }
0xd: {  	_ =	swait.ge [sflag:s7], $0x80  }
0xe: {  	[sflag:s7] =	ssyncset.done $0x0  }
0xf: {  	[sflag:s7] =	ssyncadd.s32 $0xFFFFFF80  }
0x10: {  	[tilespmem:s8], [sflag:$0x1] =	stream.indirect.gather [hbm4b:s3+s8], $0x10, s2, s8, $0xb8;
	[tilespmem:$0x880] =	vst v63  }
0x11: {  	_ =	swait.ge [sflag:s7], $0x800  }
0x12: {  	[sflag:s7] =	ssyncset.done $0x0  }
0x13: {  	[sflag:s7] =	ssyncadd.s32 $0xFFFFF800  }
0x14: {  	[hbm4b:s5+s2] =	stream.linear.scatter [tilespmem:s8], [sflag:$0x1], $0x800, $0x38;
	[tilespmem:$0x880] =	vst v63  }
0x15: {  	s11 =	simm.s32 $0x10;
	_ =	swait.ge [sflag:s7], $0x800  }
0x16: {  	s12 =	simm.s32 $0x20;
	s10 =	sadd.s32 $0x100, s5;
	[sflag:s7] =	ssyncset.done $0x0  }
.LBB2_2:
0x17: {  	s13 =	sadd.s32 s11, s6  }
0x18: {  	[sflag:s7] =	ssyncadd.s32 $0xFFFFF800;
	s11 =	smov.u32 s12;
	s14 =	sadd.s32 $0x10, s12  }
0x19: {  	[tilespmem:s2], [sflag:$0x1] =	stream.linear.gather [hbm4b:s13+s2], $0x80, $0x38;
	[tilespmem:$0x880] =	vst v63  }
0x1a: {  	p0 =	sne.s32 s12, $0x270;
	_ =	swait.ge [sflag:s7], $0x80  }
0x1b: {  	[sflag:s7] =	ssyncset.done $0x0  }
0x1c: {  	[sflag:s7] =	ssyncadd.s32 $0xFFFFFF80  }
0x1d: {  	[tilespmem:s8], [sflag:$0x1] =	stream.indirect.gather [hbm4b:s3+s8], $0x10, s2, s8, $0xb8;
	[tilespmem:$0x880] =	vst v63  }
0x1e: {  	_ =	swait.ge [sflag:s7], $0x800  }
.Ltmp0:
0x1f: {  	[sflag:s7] =	ssyncset.done $0x0;
	(pc) =	sbr.rel @p0 .LBB2_2-.Ltmp0, $4  }
0x20: {  	[sflag:s7] =	ssyncadd.s32 $0xFFFFF800  }
0x21: {  	[hbm4b:s10+s2] =	stream.linear.scatter [tilespmem:s8], [sflag:$0x1], $0x800, $0x38;
	[tilespmem:$0x880] =	vst v63  }
0x22: {  	_ =	swait.ge [sflag:s7], $0x800  }
0x23: {  	s12 =	smov.u32 s14;
	s10 =	sadd.s32 $0x100, s10;
	[sflag:s7] =	ssyncset.done $0x0  }
0x24: {  	s11 =	sadd.s32 s11, s6;
	[sflag:s7] =	ssyncadd.s32 $0xFFFFF800  }
0x25: {  	[tilespmem:s2], [sflag:$0x1] =	stream.linear.gather [hbm4b:s11+s2], $0x80, $0x38;
	[tilespmem:$0x880] =	vst v63  }
0x26: {  	_ =	swait.ge [sflag:s7], $0x80  }
0x27: {  	[sflag:s7] =	ssyncset.done $0x0  }
0x28: {  	[sflag:s7] =	ssyncadd.s32 $0xFFFFFF80  }
0x29: {  	[tilespmem:s8], [sflag:$0x1] =	stream.indirect.gather [hbm4b:s3+s8], $0x10, s2, s8, $0xb8;
	[tilespmem:$0x880] =	vst v63  }
0x2a: {  	s9 =	sadd.s32 $0x1, s9;
	_ =	swait.ge [sflag:s7], $0x800  }
0x2b: {  	p0 =	sne.s32 s9, s4;
	[sflag:s7] =	ssyncset.done $0x0  }
.Ltmp1:
0x2c: {  	[sflag:s7] =	ssyncadd.s32 $0xFFFFF800;
	(pc) =	sbr.rel @p0 .LBB2_1-.Ltmp1, $4  }
0x2d: {  	[hbm4b:s10+s2] =	stream.linear.scatter [tilespmem:s8], [sflag:$0x1], $0x800, $0x38;
	[tilespmem:$0x880] =	vst v63  }
0x2e: {  	_ =	swait.ge [sflag:s7], $0x800  }
0x2f: {  	[sflag:s7] =	ssyncset.done $0x0  }
0x30: {  	[sflag:s7] =	ssyncadd.s32 $0xFFFFF800  }
0x31: {  	_ =	sfence.sel $0x180000  }
0x32: {  	[bflag:$0x0] =	sbarrier.arrive $0xFFFF  }
0x33: {  	p0 =	sne.s32 s1, $0x0;
	_ =	strace $0x90000050  }
0x34: {  	s0 =	sadd.s32 @!p0 $0x100000, s0;
	[bflag:$0x2] =	sbarrier.arrive $0xFFFF  }
0x35: {  	[sflag:s0] =	ssyncadd.tile.s32 @!p0 $0x1;
	_ =	shalt  }
.Lfunc_end2:
_tile_overlayer_lowered:
.L_overlay_start_2:
0x36: {  	(tag) =	ssettag $0x2  }
0x37: {  	s0 =	rddreg [dreg:$0x0];
	s2 =	stileid.u32  }
0x38: {  	s1 =	rddreg [dreg:$0x1];
	p0 =	sne.s32 s2, $0x0  }
0x39: {  	s3 =	rddreg [dreg:$0x2];
	[bflag:$0x3] =	sbarrier.arrive $0xFFFF;
	s2 =	simm.s32 @!p0 $0x1C01  }
0x3a: {  	[timem:s3], [sflag:s2] =	dma.local @!p0 [hbm:s0], s1  }
0x3b: {  	s0 =	simm.s32 @!p0 $0x1  }
0x3c: {  	_ =	swait.ge @!p0 [sflag:s0], s1  }
0x3d: {  	s1 =	ssub.s32 @!p0 $0x0, s1;
	[sflag:s0] =	ssyncset.done @!p0 $0x0  }
0x3e: {  	[sflag:s0] =	ssyncadd.s32 @!p0 s1  }
0x3f: {  	[bflag:$0x3] =	sbarrier.arrive $0xFFFF  }
0x40: {  	_ =	shalt  }

// kernel: kernel.24.cloned.1.call-start
scs
__scs_entry_jumppad:
0x0: {  	(pc) =	sbr.rel $0x88, $3  }
0x1: {  	(tag) =	ssettag $0x0;
	lr =	simm.s32 $0x1  }
0x2: {  	[smem:$0x3F8C] =	sst lr;
	_ =	strace $0xD0000000  }
0x3: {  	_ = 	snop  }
0x4: {  	_ = 	snop  }
0x5: {  	_ = 	snop  }
0x6: {  	_ = 	snop  }
0x7: {  	_ = 	snop  }
__scs_overlays_trampoline_lowered:
0x8: {  	[smem:$0x3F9B] =	sst s0  }
0x9: {  	[smem:$0x3F9C] =	sst s1  }
0xa: {  	[smem:$0x3F9D] =	sst s2  }
0xb: {  	[smem:$0x3F9E] =	sst s3  }
0xc: {  	[smem:$0x3F9F] =	sst s4  }
0xd: {  	[smem:$0x3FA0] =	sst s5  }
0xe: {  	[smem:$0x3FA1] =	sst s6  }
0xf: {  	[smem:$0x3FA2] =	sst s7  }
0x10: {  	[smem:$0x3FA3] =	sst s8  }
0x11: {  	[smem:$0x3FA4] =	sst s9;
	s0 =	simm.s32 @!p0 $0x0  }
0x12: {  	s1 =	sld [smem:$0x3F8A];
	s0 =	simm.s32 @p0 $0x1  }
0x13: {  	[smem:$0x3FA5] =	sst s0;
	s0 =	simm.s32 @!p1 $0x0  }
0x14: {  	s2 =	sld [smem:$0x3F89];
	s0 =	simm.s32 @p1 $0x1  }
0x15: {  	[smem:$0x3FA6] =	sst s0;
	s0 =	simm.s32 @!p2 $0x0  }
0x16: {  	s3 =	sld [smem:$0x3FDB];
	s0 =	simm.s32 @p2 $0x1  }
0x17: {  	s4 =	simm.s32 $0x1BF5;
	[smem:$0x3FA8] =	sst s0  }
0x18: {  	s0 =	sld [smem:$0x3F8B];
	_ =	swait.ge [sflag:s4], $0x0  }
0x19: {  	s7 =	sld [smem:$0x3F8C]  }
0x1a: {  	s8 =	sadd.s32 $0xFFFFE003, lr  }
0x1b: {  	s9 =	sadd.s32 $0xFFFFFEF7, lr;
	s5 =	simm.s32 $0xFFFFFFFF;
	p2 =	slt.u32 s8, $0xFFFFF086  }
0x1c: {  	p1 =	slt.u32 s9, $0xF7A;
	s5 =	simm.s32 @!p2 $0x0  }
0x1d: {  	s5 =	simm.s32 @p1 $0x1;
	p0 =	seq.s32 s7, s2  }
0x1e: {  	s7 =	smul.u32 @!p0 $0xF7A, s2;
	p2 =	seq.s32 @!p0 s5, $0x0  }
0x1f: {  	s9 =	smul.u32 $0xF7A, s1;
	s8 =	simm.s32 @!p0 $0x1BF5;
	p2 =	por !p2, p0  }
0x20: {  	[sflag:s8] =	ssyncset.s32 @!p0 $0xFFFFF086;
	s6 =	sadd.s32 @!p0 s3, s7;
	s7 =	simm.s32 @!p0 $0x108  }
0x21: {  	s3 =	sadd.s32 s3, s9;
	s6 =	sadd.s32 @!p0 $0x88, s6;
	s7 =	simm.s32 @p2 $0x1082  }
0x22: {  	[simem:s7], [sflag:s8] =	dma.local @!p0 [hbm:s6], $0xF7A  }
0x23: {  	s9 =	sor.u32 $0xD0000000, s2;
	s6 =	simm.s32 $0x108;
	_ =	swait.ge @!p0 [sflag:s8], $0x0  }
0x24: {  	s3 =	sadd.s32 $0x88, s3;
	s6 =	simm.s32 @!p1 $0x1082;
	[sflag:s4] =	ssyncset.s32 $0xFFFFF086  }
0x25: {  	[simem:s6], [sflag:s4] =	dma.local [hbm:s3], $0xF7A  }
0x26: {  	[smem:$0x3F8C] =	sst s1;
	(tag) =	ssettag s2;
	_ =	strace s9  }
0x27: {  	s1 =	sld [smem:$0x3F9C]  }
0x28: {  	s2 =	sld [smem:$0x3F9D]  }
0x29: {  	s4 =	sld [smem:$0x3F9F]  }
0x2a: {  	p0 =	seq.s32 s5, $0x0;
	s5 =	sld [smem:$0x3FA0]  }
0x2b: {  	s6 =	sld [smem:$0x3FA1]  }
0x2c: {  	s7 =	sld [smem:$0x3FA2]  }
0x2d: {  	s3 =	simm.s32 $0x108;
	s8 =	sld [smem:$0x3FA3]  }
0x2e: {  	s3 =	simm.s32 @!p0 $0x1082;
	s9 =	sld [smem:$0x3FA4]  }
0x2f: {  	lr =	sadd.s32 s0, s3;
	s0 =	sld [smem:$0x3F9B]  }
0x30: {  	s3 =	sld [smem:$0x3F9E]  }
0x31: {  	[smem:$0x3FA7] =	sst s10  }
0x32: {  	s10 =	sld [smem:$0x3FA5];
	_ =	sdelay $0x3  }
0x33: {  	p0 =	seq.s32 s10, $0x1;
	s10 =	sld [smem:$0x3FA7];
	_ =	sdelay $0x3  }
0x34: {  	[smem:$0x3FA7] =	sst s10  }
0x35: {  	s10 =	sld [smem:$0x3FA6];
	_ =	sdelay $0x3  }
0x36: {  	p1 =	seq.s32 s10, $0x1;
	s10 =	sld [smem:$0x3FA7];
	_ =	sdelay $0x3  }
0x37: {  	[smem:$0x3FA7] =	sst s10  }
0x38: {  	s10 =	sld [smem:$0x3FA8]  }
0x39: {  	_ = 	snop;
	(pc) =	sbr.ind lr, $3  }
0x3a: {  	_ = 	snop  }
0x3b: {  	_ = 	snop  }
0x3c: {  	p2 =	seq.s32 s10, $0x1;
	s10 =	sld [smem:$0x3FA7]  }
0x3d: {  	_ =	shalt  }
0x3e: {  	_ =	shalt  }
0x3f: {  	_ =	shalt  }
0x40: {  	_ =	shalt  }
0x41: {  	_ =	shalt  }
0x42: {  	_ =	shalt  }
0x43: {  	_ =	shalt  }
0x44: {  	_ =	shalt  }
0x45: {  	_ =	shalt  }
0x46: {  	_ =	shalt  }
0x47: {  	_ =	shalt  }
0x48: {  	_ =	shalt  }
0x49: {  	_ =	shalt  }
0x4a: {  	_ =	shalt  }
0x4b: {  	_ =	shalt  }
0x4c: {  	_ =	shalt  }
0x4d: {  	_ =	shalt  }
0x4e: {  	_ =	shalt  }
0x4f: {  	_ =	shalt  }
0x50: {  	_ =	shalt  }
0x51: {  	_ =	shalt  }
0x52: {  	_ =	shalt  }
0x53: {  	_ =	shalt  }
0x54: {  	_ =	shalt  }
0x55: {  	_ =	shalt  }
0x56: {  	_ =	shalt  }
0x57: {  	_ =	shalt  }
0x58: {  	_ =	shalt  }
0x59: {  	_ =	shalt  }
0x5a: {  	_ =	shalt  }
0x5b: {  	_ =	shalt  }
0x5c: {  	_ =	shalt  }
0x5d: {  	_ =	shalt  }
0x5e: {  	_ =	shalt  }
0x5f: {  	_ =	shalt  }
0x60: {  	_ =	shalt  }
0x61: {  	_ =	shalt  }
0x62: {  	_ =	shalt  }
0x63: {  	_ =	shalt  }
0x64: {  	_ =	shalt  }
0x65: {  	_ =	shalt  }
0x66: {  	_ =	shalt  }
0x67: {  	_ =	shalt  }
0x68: {  	_ =	shalt  }
0x69: {  	_ =	shalt  }
0x6a: {  	_ =	shalt  }
0x6b: {  	_ =	shalt  }
0x6c: {  	_ =	shalt  }
0x6d: {  	_ =	shalt  }
0x6e: {  	_ =	shalt  }
0x6f: {  	_ =	shalt  }
0x70: {  	_ =	shalt  }
0x71: {  	_ =	shalt  }
0x72: {  	_ =	shalt  }
0x73: {  	_ =	shalt  }
0x74: {  	_ =	shalt  }
0x75: {  	_ =	shalt  }
0x76: {  	_ =	shalt  }
0x77: {  	_ =	shalt  }
0x78: {  	_ =	shalt  }
0x79: {  	_ =	shalt  }
0x7a: {  	_ =	shalt  }
0x7b: {  	_ =	shalt  }
0x7c: {  	_ =	shalt  }
0x7d: {  	_ =	shalt  }
0x7e: {  	_ =	shalt  }
0x7f: {  	_ =	shalt  }
0x80: {  	_ =	shalt  }
0x81: {  	_ =	shalt  }
0x82: {  	_ =	shalt  }
0x83: {  	_ =	shalt  }
0x84: {  	_ =	shalt  }
0x85: {  	_ =	shalt  }
0x86: {  	_ =	shalt  }
0x87: {  	_ =	shalt  }
.Lfunc_end0:
.L_simem_size_0:
called_computation.4_lowered:
.L_overlay_start_0:
0x88: {  	s2 =	sld [smem:$0x3FD9]  }
0x89: {  	s3 =	sld [smem:$0x3FFE];
	_ =	sdelay $0x1  }
0x8a: {  	s1 =	srdreg.scid  }
0x8b: {  	s0 =	sand.u32 $0x1, s1  }
0x8c: {  	s16 =	sshll.u32 s0, $0xA;
	s2 =	sadd.s32 s3, s2  }
0x8d: {  	s2 =	sadd.s32 s2, s16  }
0x8e: {  	[smem:$0x3FB3] =	sst s2  }
0x8f: {  	_ = 	snop  }
0x90: {  	(tm) =	ssettm $0x1  }
0x91: {  	s17 =	sld [smem:$0x3FFB];
	_ =	sdelay $0x3  }
0x92: {  	_ =	strace s17  }
0x93: {  	s2 =	sld [smem:$0x3FFC];
	_ =	sdelay $0x3  }
0x94: {  	_ =	strace s2  }
0x95: {  	s2 =	sld [smem:$0x3FFD];
	_ =	sdelay $0x3  }
0x96: {  	_ =	strace s2  }
0x97: {  	_ =	strace $0x8FFFFFFF  }
0x98: {  	s18 =	sld [smem:$0x3FDB];
	_ =	sdelay $0x1  }
0x99: {  	s19 =	simm.s32 $_scs_section_size  }
0x9a: {  	s4 =	simm.s32 $_size__tile_overlayer_lowered;
	s5 =	simm.s32 $_tile_overlayer_lowered  }
0x9b: {  	s22 =	simm.s32 $0x1BFF;
	s21 =	sshll.u32 s5, $0x1;
	s2 =	sadd.s32 s19, s18  }
0x9c: {  	s6 =	simm.s32 $0x0;
	s20 =	sshll.u32 s4, $0x1;
	s4 =	sadd.s32 s21, s2  }
0x9d: {  	[timem:s6], [sflag:s22] =	dma.local [hbm:s4], s20  }
0x9e: {  	_ =	swait.ge [sflag:s22], s20  }
0x9f: {  	s3 =	ssub.s32 $0x0, s20;
	[sflag:s22] =	ssyncset.done $0x0  }
0xa0: {  	[sflag:s22] =	ssyncadd.s32 s3;
	_ =	sdelay $0x1  }
0xa1: {  	s23 =	simm.s32 $0x1B8B  }
0xa2: {  	_ =	swait.ge [sflag:s23], $0x1  }
0xa3: {  	[sflag:s23] =	ssyncset.done $0x0  }
0xa4: {  	s25 =	simm.s32 $0x1B8E;
	s24 =	sld [smem:$0x3FFE];
	[sflag:s23] =	ssyncadd.s32 $0xFFFFFFFF  }
0xa5: {  	s26 =	simm.s32 $execute0_lowered;
	[smem:$0x3FD2] =	sst s25  }
0xa6: {  	s4 =	sshll.u32 s26, $0x1;
	_ =	strace $0x80000052;
	[dreg:$0x1] =	wrdreg $0xFFFFFFFF  }
0xa7: {  	s28 =	simm.s32 $_size_execute0_lowered;
	s2 =	sadd.s32 s2, s4;
	[dreg:$0x0] =	wrdreg $0x0  }
0xa8: {  	s4 =	sshll.u32 s28, $0x1;
	[dreg:$0x2] =	wrdreg s2  }
0xa9: {  	[dreg:$0x3] =	wrdreg s4  }
0xaa: {  	[dreg:$0x4] =	wrdreg $0xC0  }
0xab: {  	_ =	task [dreg:s6], $0x5FFFF  }
0xac: {  	[dreg:$0x1] =	wrdreg $0xFFFFFFFF  }
0xad: {  	[dreg:$0x0] =	wrdreg $0x60  }
0xae: {  	[dreg:$0x2] =	wrdreg s24  }
0xaf: {  	[dreg:$0x3] =	wrdreg $0x20800  }
0xb0: {  	[dreg:$0x4] =	wrdreg $0x9  }
0xb1: {  	_ =	task.clear_ibuf [dreg:s6], $0x5FFFF;
	_ =	strace $0x90000052  }
0xb2: {  	s29 =	simm.s32 $0x9;
	_ =	strace $0x80000054  }
0xb3: {  	_ =	swait.ge [sflag:s29], $0x1  }
0xb4: {  	[sflag:s29] =	ssyncadd.s32 $0xFFFFFFFF  }
0xb5: {  	_ =	strace $0x90000054  }
0xb6: {  	_ =	sfence  }
0xb7: {  	s30 =	sld [smem:$0x0];
	_ =	sdelay $0x2  }
0xb8: {  	s31 =	sshll.u32 s1, $0xD;
	s1 =	sshrl.u32 s1, $0x2  }
0xb9: {  	s3 =	sand.u32 $0x4000, s31;
	s1 =	sadd.s32 s1, s30  }
0xba: {  	s0 =	sor.u32 s3, s0;
	s1 =	sshll.u32 s1, $0x11  }
0xbb: {  	s0 =	sor.u32 s1, s0  }
0xbc: {  	s0 =	sadd.s32 $0x8F2B, s0  }
0xbd: {  	[sflag:s0] =	ssyncadd.remote.s32 $0x1  }
0xbe: {  	_ =	sfence.sel $0xFFFF  }
0xbf: {  	[dreg:$0x0] =	wrdreg $0xFFFFFFFF;
	(pc) =	sbr.abs _section_cstart, $3  }
0xc0: {  	[dreg:$0x1] =	wrdreg $0xFFFFFFFF  }
0xc1: {  	_ =	task.clear_ibuf [dreg:s6], $0x2FFFF;
	_ =	strace $0x9FFFFFFF  }
0xc2: {  	(tm) =	ssettm $0x7FFFFFFF  }
0xc3: {  	_ =	shalt  }
tec
execute0_lowered:
.L_overlay_start_1:
0x0: {  	(tag) =	ssettag $0x1  }
0x1: {  	s0 =	srdreg.scid  }
0x2: {  	s4 =	sand.u32 $0x1, s0  }
0x3: {  	s5 =	rddreg [dreg:$0x0];
	s6 =	smul.u32 $0xA0000, s4  }
0x4: {  	s0 =	stileid.u32;
	s7 =	smul.u32 $0x14000, s4  }
0x5: {  	s2 =	rddreg [dreg:$0x1];
	s8 =	smul.u32 $0x1400, s0  }
0x6: {  	s1 =	rddreg [dreg:$0x2];
	s3 =	simm.s32 $0x0;
	s9 =	smul.u32 $0x9E00, s0  }
0x7: {  	[smem:$0x7FF] =	sst s3;
	s24 =	smul.u32 $0x9E000, s4  }
0x8: {  	_ =	strace $0x80000053;
	s4 =	ssub.s32 $0x2, s4;
	s30 =	sshll.u32 s0, $0x6  }
0x9: {  	s12 =	smul.u32 $0xA000, s0;
	s28 =	sshrl.u32 s4, $0x1;
	s7 =	sadd.s32 s8, s7  }
0xa: {  	s10 =	sadd.s32 s6, s5;
	s25 =	sadd.s32 s9, s24;
	s26 =	sshrl.u32 s9, $0x3  }
0xb: {  	s29 =	ssub.s32 s4, s28;
	s13 =	sadd.s32 s9, s2;
	s7 =	sshrl.u32 s7, $0x3  }
0xc: {  	s6 =	sshrl.u32 s25, $0x3;
	s31 =	sadd.s32 s12, s10;
	s10 =	sshrl.u32 s13, $0x3  }
0xd: {  	s12 =	simm.s32 $0x80;
	s13 =	simm.s32 $0x0;
	s11 =	sadd.s32 s7, s5  }
0xe: {  	s7 =	sadd.s32 s26, s5;
	s6 =	sadd.s32 s6, s5;
	s5 =	sor.u32 $0x1C01, s30  }
0xf: {  	s8 =	sadd.s32 $0x142A00, s31;
	s4 =	sadd.s32 $0x2C200, s7;
	s6 =	sadd.s32 $0x3FE00, s6  }
0x10: {  	s7 =	smax.u32 s29, $0x1;
	s9 =	sadd.s32 $0x13DA00, s11;
	s11 =	simm.s32 $0x1  }
.LBB2_1:
0x11: {  	[spmem:s10], [sflag:s5] =	dma.local [hbm:s4], $0x13C0  }
0x12: {  	_ =	swait.ge [sflag:s11], $0x13C0  }
0x13: {  	[sflag:s11] =	ssyncset.done $0x0  }
0x14: {  	[sflag:s11] =	ssyncadd.s32 $0xFFFFEC40  }
0x15: {  	s14 =	sadd.s32 $0x0, s9;
	[bflag:$0x0] =	sbarrier.arrive $0xFFFF  }
0x16: {  	[tilespmem:s3], [sflag:$0x1] =	stream.linear.gather [hbm4b:s14+s3], $0x80, $0x38;
	[tilespmem:$0xBE80] =	vst v63  }
0x17: {  	_ =	swait.ge [sflag:s11], $0x80  }
0x18: {  	[sflag:s11] =	ssyncset.done $0x0  }
0x19: {  	[sflag:s11] =	ssyncadd.s32 $0xFFFFFF80  }
0x1a: {  	[tilespmem:s12], [sflag:$0x1] =	stream.linear.gather [hbm4b:s8+s3], $0x2000, $0x38;
	[tilespmem:$0xBE80] =	vst v63  }
0x1b: {  	_ =	swait.ge [sflag:s11], $0x2000  }
0x1c: {  	[sflag:s11] =	ssyncset.done $0x0  }
0x1d: {  	[sflag:s11] =	ssyncadd.s32 $0xFFFFE000  }
0x1e: {  	[spmem:s2] =	stream.indirect.scatter.add.f32 [tilespmem:s12], [sflag:$0x1], $0x40, s3, s12, $0xb8;
	[tilespmem:$0xBE80] =	vst v63  }
0x1f: {  	s15 =	simm.s32 $0x10;
	_ =	swait.ge [sflag:s11], $0x2000  }
0x20: {  	s16 =	simm.s32 $0x20;
	s14 =	sadd.s32 $0x400, s8;
	[sflag:s11] =	ssyncset.done $0x0  }
.LBB2_2:
0x21: {  	s17 =	sadd.s32 s15, s9  }
0x22: {  	[sflag:s11] =	ssyncadd.s32 $0xFFFFE000;
	s15 =	smov.u32 s16;
	s18 =	sadd.s32 $0x10, s16  }
0x23: {  	[tilespmem:s3], [sflag:$0x1] =	stream.linear.gather [hbm4b:s17+s3], $0x80, $0x38;
	[tilespmem:$0xBE80] =	vst v63  }
0x24: {  	p0 =	sne.s32 s16, $0x270;
	_ =	swait.ge [sflag:s11], $0x80  }
0x25: {  	[sflag:s11] =	ssyncset.done $0x0  }
0x26: {  	[sflag:s11] =	ssyncadd.s32 $0xFFFFFF80  }
0x27: {  	[tilespmem:s12], [sflag:$0x1] =	stream.linear.gather [hbm4b:s14+s3], $0x2000, $0x38;
	[tilespmem:$0xBE80] =	vst v63  }
0x28: {  	_ =	swait.ge [sflag:s11], $0x2000  }
.Ltmp0:
0x29: {  	[sflag:s11] =	ssyncset.done $0x0;
	(pc) =	sbr.rel @p0 .LBB2_2-.Ltmp0, $4  }
0x2a: {  	[sflag:s11] =	ssyncadd.s32 $0xFFFFE000  }
0x2b: {  	[spmem:s2] =	stream.indirect.scatter.add.f32 [tilespmem:s12], [sflag:$0x1], $0x40, s3, s12, $0xb8;
	[tilespmem:$0xBE80] =	vst v63  }
0x2c: {  	_ =	swait.ge [sflag:s11], $0x2000  }
0x2d: {  	s16 =	smov.u32 s18;
	s14 =	sadd.s32 $0x400, s14;
	[sflag:s11] =	ssyncset.done $0x0  }
0x2e: {  	s15 =	sadd.s32 s15, s9;
	[sflag:s11] =	ssyncadd.s32 $0xFFFFE000  }
0x2f: {  	[tilespmem:s3], [sflag:$0x1] =	stream.linear.gather [hbm4b:s15+s3], $0x80, $0x38;
	[tilespmem:$0xBE80] =	vst v63  }
0x30: {  	_ =	swait.ge [sflag:s11], $0x80  }
0x31: {  	[sflag:s11] =	ssyncset.done $0x0  }
0x32: {  	[sflag:s11] =	ssyncadd.s32 $0xFFFFFF80  }
0x33: {  	[tilespmem:s12], [sflag:$0x1] =	stream.linear.gather [hbm4b:s14+s3], $0x2000, $0x38;
	[tilespmem:$0xBE80] =	vst v63  }
0x34: {  	_ =	swait.ge [sflag:s11], $0x2000  }
0x35: {  	[sflag:s11] =	ssyncset.done $0x0  }
0x36: {  	[sflag:s11] =	ssyncadd.s32 $0xFFFFE000  }
0x37: {  	[spmem:s2] =	stream.indirect.scatter.add.f32 [tilespmem:s12], [sflag:$0x1], $0x40, s3, s12, $0xb8;
	[tilespmem:$0xBE80] =	vst v63  }
0x38: {  	_ =	swait.ge [sflag:s11], $0x2000  }
0x39: {  	s13 =	sadd.s32 $0x1, s13;
	[sflag:s11] =	ssyncset.done $0x0  }
0x3a: {  	p0 =	sne.s32 s13, s7;
	[sflag:s11] =	ssyncadd.s32 $0xFFFFE000  }
.Ltmp1:
0x3b: {  	[bflag:$0x0] =	sbarrier.arrive $0xFFFF;
	(pc) =	sbr.rel @p0 .LBB2_1-.Ltmp1, $4  }
0x3c: {  	[hbm:s6], [sflag:s5] =	dma.local [spmem:s10], $0x13C0  }
0x3d: {  	_ =	swait.ge [sflag:s11], $0x13C0  }
0x3e: {  	[sflag:s11] =	ssyncset.done $0x0  }
0x3f: {  	[sflag:s11] =	ssyncadd.s32 $0xFFFFEC40  }
0x40: {  	_ =	sfence.sel $0x180000  }
0x41: {  	[bflag:$0x0] =	sbarrier.arrive $0xFFFF  }
0x42: {  	p0 =	sne.s32 s0, $0x0;
	_ =	strace $0x90000053  }
0x43: {  	s0 =	sadd.s32 @!p0 $0x100000, s1;
	[bflag:$0x2] =	sbarrier.arrive $0xFFFF  }
0x44: {  	[sflag:s0] =	ssyncadd.tile.s32 @!p0 $0x1;
	_ =	shalt  }
.Lfunc_end2:
_tile_overlayer_lowered:
.L_overlay_start_2:
0x45: {  	(tag) =	ssettag $0x2  }
0x46: {  	s0 =	rddreg [dreg:$0x0];
	s2 =	stileid.u32  }
0x47: {  	s1 =	rddreg [dreg:$0x1];
	p0 =	sne.s32 s2, $0x0  }
0x48: {  	s3 =	rddreg [dreg:$0x2];
	[bflag:$0x3] =	sbarrier.arrive $0xFFFF;
	s2 =	simm.s32 @!p0 $0x1C01  }
0x49: {  	[timem:s3], [sflag:s2] =	dma.local @!p0 [hbm:s0], s1  }
0x4a: {  	s0 =	simm.s32 @!p0 $0x1  }
0x4b: {  	_ =	swait.ge @!p0 [sflag:s0], s1  }
0x4c: {  	s1 =	ssub.s32 @!p0 $0x0, s1;
	[sflag:s0] =	ssyncset.done @!p0 $0x0  }
0x4d: {  	[sflag:s0] =	ssyncadd.s32 @!p0 s1  }
0x4e: {  	[bflag:$0x3] =	sbarrier.arrive $0xFFFF  }
0x4f: {  	_ =	shalt  }

</sc_bundles>
